<compile_context>
chip_gen: v7x
topology: tpu7x:2x2x1
jax: 0.10.2.dev20260603
libtpu: 0.0.44.dev20260713+nightly
codegen_flags: <defaults>
</compile_context>

<pallas_src>
import functools

import jax
import jax.numpy as jnp
from jax import lax
from jax.experimental import pallas as pl
from jax.experimental.pallas import tpu as pltpu
from jax.experimental.pallas import tpu_sc as plsc

_V = 1000
_D = 16
_DP = 128
_BATCH = 1024
_SEQ = 50
_B = _BATCH * _SEQ
_NC = 2
_NS = 16
_NW = _NC * _NS
_TPW = _B // _NW
_C = 80
_NCHUNK = _TPW // _C

_BB = 8
_TB = _BB * _SEQ


def _make_sc_lookup(n_tok):
    tpw = n_tok // _NW
    nchunk = tpw // _C

    @functools.partial(
        pl.kernel,
        mesh=plsc.VectorSubcoreMesh(core_axis_name="c", subcore_axis_name="s"),
        out_type=jax.ShapeDtypeStruct((n_tok, _DP), jnp.float32),
        scratch_types=[
            pltpu.VMEM((tpw,), jnp.int32),
            pltpu.VMEM((_C, _DP), jnp.float32),
            pltpu.VMEM((_C, _DP), jnp.float32),
            pltpu.SemaphoreType.DMA,
            pltpu.SemaphoreType.DMA,
            pltpu.SemaphoreType.DMA,
            pltpu.SemaphoreType.DMA,
        ],
    )
    def _sc_lookup(table_hbm, idx_hbm, out_hbm, idx_v, buf_a, buf_b,
                   sem_ga, sem_gb, sem_sa, sem_sb):
        ci = lax.axis_index("c")
        si = lax.axis_index("s")
        wid = si * _NC + ci
        base = wid * tpw
        pltpu.sync_copy(idx_hbm.at[pl.ds(base, tpw)], idx_v)

        def g_start(j, buf, sem):
            pltpu.async_copy(table_hbm.at[idx_v.at[pl.ds(j * _C, _C)]], buf, sem)

        def g_wait(buf, sem):
            pltpu.make_async_copy(
                table_hbm.at[idx_v.at[pl.ds(0, _C)]], buf, sem).wait()

        def s_start(j, buf, sem):
            pltpu.async_copy(buf, out_hbm.at[pl.ds(base + j * _C, _C)], sem)

        def s_wait(buf, sem):
            pltpu.make_async_copy(buf, out_hbm.at[pl.ds(base, _C)], sem).wait()

        g_start(0, buf_a, sem_ga)
        g_wait(buf_a, sem_ga)
        s_start(0, buf_a, sem_sa)
        g_start(1, buf_b, sem_gb)

        def pair(jj, carry):
            c0 = 1 + 2 * jj
            g_wait(buf_b, sem_gb)
            s_wait(buf_a, sem_sa)
            g_start(c0 + 1, buf_a, sem_ga)
            s_start(c0, buf_b, sem_sb)
            g_wait(buf_a, sem_ga)
            s_wait(buf_b, sem_sb)
            g_start(jnp.minimum(c0 + 2, nchunk - 1), buf_b, sem_gb)
            s_start(c0 + 1, buf_a, sem_sa)
            return carry

        lax.fori_loop(0, (nchunk - 1) // 2, pair, 0)
        g_wait(buf_b, sem_gb)
        s_wait(buf_a, sem_sa)
        s_start(nchunk - 1, buf_b, sem_sb)
        s_wait(buf_b, sem_sb)

    return _sc_lookup


_S1 = 20
_S2 = _SEQ - _S1
_sc_lookup_1 = _make_sc_lookup(_S1 * _BATCH)
_sc_lookup_2 = _make_sc_lookup(_S2 * _BATCH)


def _proj_body(h_ref, w_ref, b_ref, out_ref):
    for k in range(_SB):
        hb = h_ref[k, :, : _D]
        acc = lax.dot_general(
            w_ref[...], hb,
            dimension_numbers=(((1,), (1,)), ((), ())),
            preferred_element_type=jnp.float32,
        ) + b_ref[...]
        out_ref[k] = acc


_SB = 2

_proj_call_1 = pl.pallas_call(
    _proj_body,
    grid=(_S1 // _SB,),
    in_specs=[
        pl.BlockSpec((_SB, _BATCH, _DP), lambda s: (s, 0, 0)),
        pl.BlockSpec((_V, _D), lambda s: (0, 0)),
        pl.BlockSpec((_V, 1), lambda s: (0, 0)),
    ],
    out_specs=pl.BlockSpec((_SB, _V, _BATCH), lambda s: (s, 0, 0)),
    out_shape=jax.ShapeDtypeStruct((_SEQ, _V, _BATCH), jnp.float32),
)


def _proj_body_2(h_ref, w_ref, b_ref, prev_ref, out_ref):
    del prev_ref
    _proj_body(h_ref, w_ref, b_ref, out_ref)


_proj_call_2 = pl.pallas_call(
    _proj_body_2,
    grid=(_S2 // _SB,),
    in_specs=[
        pl.BlockSpec((_SB, _BATCH, _DP), lambda s: (s, 0, 0)),
        pl.BlockSpec((_V, _D), lambda s: (0, 0)),
        pl.BlockSpec((_V, 1), lambda s: (0, 0)),
        pl.BlockSpec(memory_space=pl.ANY),
    ],
    out_specs=pl.BlockSpec((_SB, _V, _BATCH), lambda s: (s + _S1 // _SB, 0, 0)),
    out_shape=jax.ShapeDtypeStruct((_SEQ, _V, _BATCH), jnp.float32),
    input_output_aliases={3: 0},
)


def kernel(x, emb_table, W, b):
    table = jnp.pad(emb_table, ((0, 0), (0, _DP - _D)))
    xt = x.T
    bc = b.reshape(_V, 1)
    h1 = _sc_lookup_1(table, xt[:_S1].reshape(_S1 * _BATCH))
    h2 = _sc_lookup_2(table, xt[_S1:].reshape(_S2 * _BATCH))
    o1 = _proj_call_1(h1.reshape(_S1, _BATCH, _DP), W, bc)
    out_t = _proj_call_2(h2.reshape(_S2, _BATCH, _DP), W, bc, o1)
    return jnp.transpose(out_t, (2, 0, 1))

# --- scband reference (transcript-rebuilt; emitter-appended) ---
"""Pipeline reference for scband-embedding-model-60155311948089 (READ-ONLY COPY).

The authoritative reference and input builder live on the scoring server;
editing this copy changes nothing except your own understanding.
"""

import jax, jax.numpy as jnp
import numpy as np

VOCAB = 1000
D_MODEL = 16
BATCH = 1024
SEQ = 50


def setup_inputs(seed: int = 0) -> dict:
    key = jax.random.key(seed)
    k_idx, k_emb, k_w, k_b = jax.random.split(key, 4)
    x = jax.random.randint(k_idx, (BATCH, SEQ), 0, VOCAB, dtype=jnp.int32)
    # nn.Embedding weight: N(0,1)
    emb_table = jax.random.normal(k_emb, (VOCAB, D_MODEL), dtype=jnp.float32)
    # nn.Linear(d_model, vocab): weight [out, in], bias [out], U(-1/sqrt(in), 1/sqrt(in))
    bound = 1.0 / np.sqrt(D_MODEL)
    W = jax.random.uniform(k_w, (VOCAB, D_MODEL), minval=-bound, maxval=bound, dtype=jnp.float32)
    b = jax.random.uniform(k_b, (VOCAB,), minval=-bound, maxval=bound, dtype=jnp.float32)
    return {"x": x, "emb_table": emb_table, "W": W, "b": b}


def reference(x, emb_table, W, b):
    # x = self.embedding(x)  -> gather rows of the table
    h = jnp.take(emb_table, x, axis=0)            # [B, S, D]
    # self.output_layer(x)   -> h @ W.T + b
    logits = jnp.einsum("bsd,vd->bsv", h, W) + b  # [B, S, VOCAB]
    return logits

if __name__ == "__main__":
    import jax
    _d = setup_inputs()
    print(jax.jit(kernel)(*tuple(_d.values())))

</pallas_src>

<mosaic_0001>
#map = affine_map<(d0, d1) -> (0, 0)>
#map1 = affine_map<(d0, d1) -> (0)>
module attributes {stable_mosaic.version = 14 : i64} {
  func.func @_sc_lookup(%arg0: i32, %arg1: i32, %arg2: memref<1000x128xf32, #tpu.memory_space<hbm>>, %arg3: memref<30720xi32, #tpu.memory_space<hbm>>, %arg4: memref<30720x128xf32, #tpu.memory_space<hbm>>, %arg5: memref<960xi32, #tpu.memory_space<vmem>>, %arg6: memref<80x128xf32, #tpu.memory_space<vmem>>, %arg7: memref<80x128xf32, #tpu.memory_space<vmem>>, %arg8: memref<!tpu.dma_semaphore, #tpu.memory_space<semaphore_mem>>, %arg9: memref<!tpu.dma_semaphore, #tpu.memory_space<semaphore_mem>>, %arg10: memref<!tpu.dma_semaphore, #tpu.memory_space<semaphore_mem>>, %arg11: memref<!tpu.dma_semaphore, #tpu.memory_space<semaphore_mem>>) attributes {dimension_semantics = [#tpu.dimension_semantics<core_parallel>, #tpu.dimension_semantics<subcore_parallel>], iteration_bounds = array<i64: 2, 16>, scalar_prefetch = 0 : i64, scratch_operands = 7 : i64, tpu.core_type = #tpu.core_type<sc_vector_subcore>, window_params = [{transform_indices = #map}, {transform_indices = #map1}, {transform_indices = #map}]} {
    %mul3A = arith.constant 2 : i32
    %mul3A_0 = arith.muli %arg1, %mul3A : i32
    %add3A = arith.addi %mul3A_0, %arg0 : i32
    %mul3A_1 = arith.constant 960 : i32
    %mul3A_2 = arith.muli %add3A, %mul3A_1 : i32
    "tpu.region"() ({
      %run_scoped3A = tpu.sem_alloc : memref<!tpu.dma_semaphore, #tpu.memory_space<semaphore_mem>>
      %dma_start3A_46 = tpu.memref_slice %arg3[%mul3A_2] : memref<30720xi32, #tpu.memory_space<hbm>> -> memref<960xi32, #tpu.memory_space<hbm>>
      %dma_start3A_47 = tpu.memref_slice %arg3[%mul3A_2] : memref<30720xi32, #tpu.memory_space<hbm>> -> memref<960xi32, #tpu.memory_space<hbm>>
      tpu.enqueue_dma source(%dma_start3A_47 : memref<960xi32, #tpu.memory_space<hbm>>) target(%arg5 : memref<960xi32, #tpu.memory_space<vmem>>) target_semaphore(%run_scoped3A : memref<!tpu.dma_semaphore, #tpu.memory_space<semaphore_mem>>)
      %dma_wait3A_48 = tpu.memref_slice %arg3[%mul3A_2] : memref<30720xi32, #tpu.memory_space<hbm>> -> memref<960xi32, #tpu.memory_space<hbm>>
      %dma_wait3A_49 = tpu.memref_slice %arg3[%mul3A_2] : memref<30720xi32, #tpu.memory_space<hbm>> -> memref<960xi32, #tpu.memory_space<hbm>>
      tpu.wait_dma2 semaphore(%run_scoped3A : memref<!tpu.dma_semaphore, #tpu.memory_space<semaphore_mem>>) src(%dma_wait3A_49 : memref<960xi32, #tpu.memory_space<hbm>>) dst(%arg5 : memref<960xi32, #tpu.memory_space<vmem>>)
      tpu.yield
    }) : () -> ()
    %dma_start3A = arith.constant 0 : i32
    %dma_start3A_3 = tpu.memref_slice %arg5[%dma_start3A] : memref<960xi32, #tpu.memory_space<vmem>> -> memref<80xi32, #tpu.memory_space<vmem>>
    %dma_start3A_4 = arith.constant 0 : i32
    %dma_start3A_5 = arith.constant 0 : i32
    %dma_start3A_6 = tpu.memref_slice %arg2[%dma_start3A_4, %dma_start3A_5] : memref<1000x128xf32, #tpu.memory_space<hbm>> -> memref<1000x128xf32, #tpu.memory_space<hbm>>
    tpu.enqueue_indirect_dma source(%dma_start3A_6 : memref<1000x128xf32, #tpu.memory_space<hbm>>) target(%arg6 : memref<80x128xf32, #tpu.memory_space<vmem>>) offsets(%dma_start3A_3 : memref<80xi32, #tpu.memory_space<vmem>>) semaphore(%arg8 : memref<!tpu.dma_semaphore, #tpu.memory_space<semaphore_mem>>)
    %dma_wait3A = arith.constant 0 : i32
    %dma_wait3A_7 = tpu.memref_slice %arg5[%dma_wait3A] : memref<960xi32, #tpu.memory_space<vmem>> -> memref<80xi32, #tpu.memory_space<vmem>>
    %dma_wait3A_8 = arith.constant 0 : i32
    %dma_wait3A_9 = arith.constant 0 : i32
    %dma_wait3A_10 = tpu.memref_slice %arg2[%dma_wait3A_8, %dma_wait3A_9] : memref<1000x128xf32, #tpu.memory_space<hbm>> -> memref<1000x128xf32, #tpu.memory_space<hbm>>
    tpu.wait_indirect_dma semaphore(%arg8 : memref<!tpu.dma_semaphore, #tpu.memory_space<semaphore_mem>>) src(%dma_wait3A_10 : memref<1000x128xf32, #tpu.memory_space<hbm>>) dst(%arg6 : memref<80x128xf32, #tpu.memory_space<vmem>>)
    %add3A_11 = arith.constant 0 : i32
    %add3A_12 = arith.addi %mul3A_2, %add3A_11 : i32
    %dma_start3A_13 = arith.constant 0 : i32
    %dma_start3A_14 = tpu.memref_slice %arg4[%add3A_12, %dma_start3A_13] : memref<30720x128xf32, #tpu.memory_space<hbm>> -> memref<80x128xf32, #tpu.memory_space<hbm>>
    %dma_start3A_15 = arith.constant 0 : i32
    %dma_start3A_16 = tpu.memref_slice %arg4[%add3A_12, %dma_start3A_15] : memref<30720x128xf32, #tpu.memory_space<hbm>> -> memref<80x128xf32, #tpu.memory_space<hbm>>
    tpu.enqueue_dma source(%arg6 : memref<80x128xf32, #tpu.memory_space<vmem>>) target(%dma_start3A_16 : memref<80x128xf32, #tpu.memory_space<hbm>>) target_semaphore(%arg10 : memref<!tpu.dma_semaphore, #tpu.memory_space<semaphore_mem>>)
    %dma_start3A_17 = arith.constant 80 : i32
    %dma_start3A_18 = tpu.memref_slice %arg5[%dma_start3A_17] : memref<960xi32, #tpu.memory_space<vmem>> -> memref<80xi32, #tpu.memory_space<vmem>>
    %dma_start3A_19 = arith.constant 0 : i32
    %dma_start3A_20 = arith.constant 0 : i32
    %dma_start3A_21 = tpu.memref_slice %arg2[%dma_start3A_19, %dma_start3A_20] : memref<1000x128xf32, #tpu.memory_space<hbm>> -> memref<1000x128xf32, #tpu.memory_space<hbm>>
    tpu.enqueue_indirect_dma source(%dma_start3A_21 : memref<1000x128xf32, #tpu.memory_space<hbm>>) target(%arg7 : memref<80x128xf32, #tpu.memory_space<vmem>>) offsets(%dma_start3A_18 : memref<80xi32, #tpu.memory_space<vmem>>) semaphore(%arg9 : memref<!tpu.dma_semaphore, #tpu.memory_space<semaphore_mem>>)
    %scan3A = arith.constant 0 : i32
    %scan3A_22 = arith.constant 0 : i32
    %scan3A_23 = arith.constant 5 : i32
    %scan3A_24 = arith.addi %scan3A_22, %scan3A_23 : i32
    %scan3A_25 = arith.constant 1 : i32
    scf.for %scan3A_46 = %scan3A_22 to %scan3A_24 step %scan3A_25  : i32 {
      %mul3A_47 = arith.constant 2 : i32
      %mul3A_48 = arith.muli %mul3A_47, %scan3A_46 : i32
      %add3A_49 = arith.constant 1 : i32
      %add3A_50 = arith.addi %add3A_49, %mul3A_48 : i32
      %dma_wait3A_51 = arith.constant 0 : i32
      %dma_wait3A_52 = tpu.memref_slice %arg5[%dma_wait3A_51] : memref<960xi32, #tpu.memory_space<vmem>> -> memref<80xi32, #tpu.memory_space<vmem>>
      %dma_wait3A_53 = arith.constant 0 : i32
      %dma_wait3A_54 = arith.constant 0 : i32
      %dma_wait3A_55 = tpu.memref_slice %arg2[%dma_wait3A_53, %dma_wait3A_54] : memref<1000x128xf32, #tpu.memory_space<hbm>> -> memref<1000x128xf32, #tpu.memory_space<hbm>>
      tpu.wait_indirect_dma semaphore(%arg9 : memref<!tpu.dma_semaphore, #tpu.memory_space<semaphore_mem>>) src(%dma_wait3A_55 : memref<1000x128xf32, #tpu.memory_space<hbm>>) dst(%arg7 : memref<80x128xf32, #tpu.memory_space<vmem>>)
      %dma_wait3A_56 = arith.constant 0 : i32
      %dma_wait3A_57 = tpu.memref_slice %arg4[%mul3A_2, %dma_wait3A_56] : memref<30720x128xf32, #tpu.memory_space<hbm>> -> memref<80x128xf32, #tpu.memory_space<hbm>>
      %dma_wait3A_58 = arith.constant 0 : i32
      %dma_wait3A_59 = tpu.memref_slice %arg4[%mul3A_2, %dma_wait3A_58] : memref<30720x128xf32, #tpu.memory_space<hbm>> -> memref<80x128xf32, #tpu.memory_space<hbm>>
      tpu.wait_dma2 semaphore(%arg10 : memref<!tpu.dma_semaphore, #tpu.memory_space<semaphore_mem>>) src(%arg6 : memref<80x128xf32, #tpu.memory_space<vmem>>) dst(%dma_wait3A_59 : memref<80x128xf32, #tpu.memory_space<hbm>>)
      %add3A_60 = arith.constant 1 : i32
      %add3A_61 = arith.addi %add3A_50, %add3A_60 : i32
      %mul3A_62 = arith.constant 80 : i32
      %mul3A_63 = arith.muli %add3A_61, %mul3A_62 : i32
      %dma_start3A_64 = tpu.memref_slice %arg5[%mul3A_63] : memref<960xi32, #tpu.memory_space<vmem>> -> memref<80xi32, #tpu.memory_space<vmem>>
      %dma_start3A_65 = arith.constant 0 : i32
      %dma_start3A_66 = arith.constant 0 : i32
      %dma_start3A_67 = tpu.memref_slice %arg2[%dma_start3A_65, %dma_start3A_66] : memref<1000x128xf32, #tpu.memory_space<hbm>> -> memref<1000x128xf32, #tpu.memory_space<hbm>>
      tpu.enqueue_indirect_dma source(%dma_start3A_67 : memref<1000x128xf32, #tpu.memory_space<hbm>>) target(%arg6 : memref<80x128xf32, #tpu.memory_space<vmem>>) offsets(%dma_start3A_64 : memref<80xi32, #tpu.memory_space<vmem>>) semaphore(%arg8 : memref<!tpu.dma_semaphore, #tpu.memory_space<semaphore_mem>>)
      %mul3A_68 = arith.constant 80 : i32
      %mul3A_69 = arith.muli %add3A_50, %mul3A_68 : i32
      %add3A_70 = arith.addi %mul3A_2, %mul3A_69 : i32
      %dma_start3A_71 = arith.constant 0 : i32
      %dma_start3A_72 = tpu.memref_slice %arg4[%add3A_70, %dma_start3A_71] : memref<30720x128xf32, #tpu.memory_space<hbm>> -> memref<80x128xf32, #tpu.memory_space<hbm>>
      %dma_start3A_73 = arith.constant 0 : i32
      %dma_start3A_74 = tpu.memref_slice %arg4[%add3A_70, %dma_start3A_73] : memref<30720x128xf32, #tpu.memory_space<hbm>> -> memref<80x128xf32, #tpu.memory_space<hbm>>
      tpu.enqueue_dma source(%arg7 : memref<80x128xf32, #tpu.memory_space<vmem>>) target(%dma_start3A_74 : memref<80x128xf32, #tpu.memory_space<hbm>>) target_semaphore(%arg11 : memref<!tpu.dma_semaphore, #tpu.memory_space<semaphore_mem>>)
      %dma_wait3A_75 = arith.constant 0 : i32
      %dma_wait3A_76 = tpu.memref_slice %arg5[%dma_wait3A_75] : memref<960xi32, #tpu.memory_space<vmem>> -> memref<80xi32, #tpu.memory_space<vmem>>
      %dma_wait3A_77 = arith.constant 0 : i32
      %dma_wait3A_78 = arith.constant 0 : i32
      %dma_wait3A_79 = tpu.memref_slice %arg2[%dma_wait3A_77, %dma_wait3A_78] : memref<1000x128xf32, #tpu.memory_space<hbm>> -> memref<1000x128xf32, #tpu.memory_space<hbm>>
      tpu.wait_indirect_dma semaphore(%arg8 : memref<!tpu.dma_semaphore, #tpu.memory_space<semaphore_mem>>) src(%dma_wait3A_79 : memref<1000x128xf32, #tpu.memory_space<hbm>>) dst(%arg6 : memref<80x128xf32, #tpu.memory_space<vmem>>)
      %dma_wait3A_80 = arith.constant 0 : i32
      %dma_wait3A_81 = tpu.memref_slice %arg4[%mul3A_2, %dma_wait3A_80] : memref<30720x128xf32, #tpu.memory_space<hbm>> -> memref<80x128xf32, #tpu.memory_space<hbm>>
      %dma_wait3A_82 = arith.constant 0 : i32
      %dma_wait3A_83 = tpu.memref_slice %arg4[%mul3A_2, %dma_wait3A_82] : memref<30720x128xf32, #tpu.memory_space<hbm>> -> memref<80x128xf32, #tpu.memory_space<hbm>>
      tpu.wait_dma2 semaphore(%arg11 : memref<!tpu.dma_semaphore, #tpu.memory_space<semaphore_mem>>) src(%arg7 : memref<80x128xf32, #tpu.memory_space<vmem>>) dst(%dma_wait3A_83 : memref<80x128xf32, #tpu.memory_space<hbm>>)
      %add3A_84 = arith.constant 2 : i32
      %add3A_85 = arith.addi %add3A_50, %add3A_84 : i32
      %min3A = arith.constant 11 : i32
      %min3A_86 = arith.minsi %add3A_85, %min3A : i32
      %mul3A_87 = arith.constant 80 : i32
      %mul3A_88 = arith.muli %min3A_86, %mul3A_87 : i32
      %dma_start3A_89 = tpu.memref_slice %arg5[%mul3A_88] : memref<960xi32, #tpu.memory_space<vmem>> -> memref<80xi32, #tpu.memory_space<vmem>>
      %dma_start3A_90 = arith.constant 0 : i32
      %dma_start3A_91 = arith.constant 0 : i32
      %dma_start3A_92 = tpu.memref_slice %arg2[%dma_start3A_90, %dma_start3A_91] : memref<1000x128xf32, #tpu.memory_space<hbm>> -> memref<1000x128xf32, #tpu.memory_space<hbm>>
      tpu.enqueue_indirect_dma source(%dma_start3A_92 : memref<1000x128xf32, #tpu.memory_space<hbm>>) target(%arg7 : memref<80x128xf32, #tpu.memory_space<vmem>>) offsets(%dma_start3A_89 : memref<80xi32, #tpu.memory_space<vmem>>) semaphore(%arg9 : memref<!tpu.dma_semaphore, #tpu.memory_space<semaphore_mem>>)
      %add3A_93 = arith.constant 1 : i32
      %add3A_94 = arith.addi %add3A_50, %add3A_93 : i32
      %mul3A_95 = arith.constant 80 : i32
      %mul3A_96 = arith.muli %add3A_94, %mul3A_95 : i32
      %add3A_97 = arith.addi %mul3A_2, %mul3A_96 : i32
      %dma_start3A_98 = arith.constant 0 : i32
      %dma_start3A_99 = tpu.memref_slice %arg4[%add3A_97, %dma_start3A_98] : memref<30720x128xf32, #tpu.memory_space<hbm>> -> memref<80x128xf32, #tpu.memory_space<hbm>>
      %dma_start3A_100 = arith.constant 0 : i32
      %dma_start3A_101 = tpu.memref_slice %arg4[%add3A_97, %dma_start3A_100] : memref<30720x128xf32, #tpu.memory_space<hbm>> -> memref<80x128xf32, #tpu.memory_space<hbm>>
      tpu.enqueue_dma source(%arg6 : memref<80x128xf32, #tpu.memory_space<vmem>>) target(%dma_start3A_101 : memref<80x128xf32, #tpu.memory_space<hbm>>) target_semaphore(%arg10 : memref<!tpu.dma_semaphore, #tpu.memory_space<semaphore_mem>>)
    }
    %scan3A_26 = arith.constant 5 : i32
    %dma_wait3A_27 = arith.constant 0 : i32
    %dma_wait3A_28 = tpu.memref_slice %arg5[%dma_wait3A_27] : memref<960xi32, #tpu.memory_space<vmem>> -> memref<80xi32, #tpu.memory_space<vmem>>
    %dma_wait3A_29 = arith.constant 0 : i32
    %dma_wait3A_30 = arith.constant 0 : i32
    %dma_wait3A_31 = tpu.memref_slice %arg2[%dma_wait3A_29, %dma_wait3A_30] : memref<1000x128xf32, #tpu.memory_space<hbm>> -> memref<1000x128xf32, #tpu.memory_space<hbm>>
    tpu.wait_indirect_dma semaphore(%arg9 : memref<!tpu.dma_semaphore, #tpu.memory_space<semaphore_mem>>) src(%dma_wait3A_31 : memref<1000x128xf32, #tpu.memory_space<hbm>>) dst(%arg7 : memref<80x128xf32, #tpu.memory_space<vmem>>)
    %dma_wait3A_32 = arith.constant 0 : i32
    %dma_wait3A_33 = tpu.memref_slice %arg4[%mul3A_2, %dma_wait3A_32] : memref<30720x128xf32, #tpu.memory_space<hbm>> -> memref<80x128xf32, #tpu.memory_space<hbm>>
    %dma_wait3A_34 = arith.constant 0 : i32
    %dma_wait3A_35 = tpu.memref_slice %arg4[%mul3A_2, %dma_wait3A_34] : memref<30720x128xf32, #tpu.memory_space<hbm>> -> memref<80x128xf32, #tpu.memory_space<hbm>>
    tpu.wait_dma2 semaphore(%arg10 : memref<!tpu.dma_semaphore, #tpu.memory_space<semaphore_mem>>) src(%arg6 : memref<80x128xf32, #tpu.memory_space<vmem>>) dst(%dma_wait3A_35 : memref<80x128xf32, #tpu.memory_space<hbm>>)
    %add3A_36 = arith.constant 880 : i32
    %add3A_37 = arith.addi %mul3A_2, %add3A_36 : i32
    %dma_start3A_38 = arith.constant 0 : i32
    %dma_start3A_39 = tpu.memref_slice %arg4[%add3A_37, %dma_start3A_38] : memref<30720x128xf32, #tpu.memory_space<hbm>> -> memref<80x128xf32, #tpu.memory_space<hbm>>
    %dma_start3A_40 = arith.constant 0 : i32
    %dma_start3A_41 = tpu.memref_slice %arg4[%add3A_37, %dma_start3A_40] : memref<30720x128xf32, #tpu.memory_space<hbm>> -> memref<80x128xf32, #tpu.memory_space<hbm>>
    tpu.enqueue_dma source(%arg7 : memref<80x128xf32, #tpu.memory_space<vmem>>) target(%dma_start3A_41 : memref<80x128xf32, #tpu.memory_space<hbm>>) target_semaphore(%arg11 : memref<!tpu.dma_semaphore, #tpu.memory_space<semaphore_mem>>)
    %dma_wait3A_42 = arith.constant 0 : i32
    %dma_wait3A_43 = tpu.memref_slice %arg4[%mul3A_2, %dma_wait3A_42] : memref<30720x128xf32, #tpu.memory_space<hbm>> -> memref<80x128xf32, #tpu.memory_space<hbm>>
    %dma_wait3A_44 = arith.constant 0 : i32
    %dma_wait3A_45 = tpu.memref_slice %arg4[%mul3A_2, %dma_wait3A_44] : memref<30720x128xf32, #tpu.memory_space<hbm>> -> memref<80x128xf32, #tpu.memory_space<hbm>>
    tpu.wait_dma2 semaphore(%arg11 : memref<!tpu.dma_semaphore, #tpu.memory_space<semaphore_mem>>) src(%arg7 : memref<80x128xf32, #tpu.memory_space<vmem>>) dst(%dma_wait3A_45 : memref<80x128xf32, #tpu.memory_space<hbm>>)
    return
  }
}

#map = affine_map<(d0, d1) -> (0, 0)>
#map1 = affine_map<(d0, d1) -> (0)>
module attributes {stable_mosaic.version = 14 : i64} {
  func.func @_sc_lookup(%arg0: i32, %arg1: i32, %arg2: memref<1000x128xf32, #tpu.memory_space<hbm>>, %arg3: memref<20480xi32, #tpu.memory_space<hbm>>, %arg4: memref<20480x128xf32, #tpu.memory_space<hbm>>, %arg5: memref<640xi32, #tpu.memory_space<vmem>>, %arg6: memref<80x128xf32, #tpu.memory_space<vmem>>, %arg7: memref<80x128xf32, #tpu.memory_space<vmem>>, %arg8: memref<!tpu.dma_semaphore, #tpu.memory_space<semaphore_mem>>, %arg9: memref<!tpu.dma_semaphore, #tpu.memory_space<semaphore_mem>>, %arg10: memref<!tpu.dma_semaphore, #tpu.memory_space<semaphore_mem>>, %arg11: memref<!tpu.dma_semaphore, #tpu.memory_space<semaphore_mem>>) attributes {dimension_semantics = [#tpu.dimension_semantics<core_parallel>, #tpu.dimension_semantics<subcore_parallel>], iteration_bounds = array<i64: 2, 16>, scalar_prefetch = 0 : i64, scratch_operands = 7 : i64, tpu.core_type = #tpu.core_type<sc_vector_subcore>, window_params = [{transform_indices = #map}, {transform_indices = #map1}, {transform_indices = #map}]} {
    %mul3A = arith.constant 2 : i32
    %mul3A_0 = arith.muli %arg1, %mul3A : i32
    %add3A = arith.addi %mul3A_0, %arg0 : i32
    %mul3A_1 = arith.constant 640 : i32
    %mul3A_2 = arith.muli %add3A, %mul3A_1 : i32
    "tpu.region"() ({
      %run_scoped3A = tpu.sem_alloc : memref<!tpu.dma_semaphore, #tpu.memory_space<semaphore_mem>>
      %dma_start3A_46 = tpu.memref_slice %arg3[%mul3A_2] : memref<20480xi32, #tpu.memory_space<hbm>> -> memref<640xi32, #tpu.memory_space<hbm>>
      %dma_start3A_47 = tpu.memref_slice %arg3[%mul3A_2] : memref<20480xi32, #tpu.memory_space<hbm>> -> memref<640xi32, #tpu.memory_space<hbm>>
      tpu.enqueue_dma source(%dma_start3A_47 : memref<640xi32, #tpu.memory_space<hbm>>) target(%arg5 : memref<640xi32, #tpu.memory_space<vmem>>) target_semaphore(%run_scoped3A : memref<!tpu.dma_semaphore, #tpu.memory_space<semaphore_mem>>)
      %dma_wait3A_48 = tpu.memref_slice %arg3[%mul3A_2] : memref<20480xi32, #tpu.memory_space<hbm>> -> memref<640xi32, #tpu.memory_space<hbm>>
      %dma_wait3A_49 = tpu.memref_slice %arg3[%mul3A_2] : memref<20480xi32, #tpu.memory_space<hbm>> -> memref<640xi32, #tpu.memory_space<hbm>>
      tpu.wait_dma2 semaphore(%run_scoped3A : memref<!tpu.dma_semaphore, #tpu.memory_space<semaphore_mem>>) src(%dma_wait3A_49 : memref<640xi32, #tpu.memory_space<hbm>>) dst(%arg5 : memref<640xi32, #tpu.memory_space<vmem>>)
      tpu.yield
    }) : () -> ()
    %dma_start3A = arith.constant 0 : i32
    %dma_start3A_3 = tpu.memref_slice %arg5[%dma_start3A] : memref<640xi32, #tpu.memory_space<vmem>> -> memref<80xi32, #tpu.memory_space<vmem>>
    %dma_start3A_4 = arith.constant 0 : i32
    %dma_start3A_5 = arith.constant 0 : i32
    %dma_start3A_6 = tpu.memref_slice %arg2[%dma_start3A_4, %dma_start3A_5] : memref<1000x128xf32, #tpu.memory_space<hbm>> -> memref<1000x128xf32, #tpu.memory_space<hbm>>
    tpu.enqueue_indirect_dma source(%dma_start3A_6 : memref<1000x128xf32, #tpu.memory_space<hbm>>) target(%arg6 : memref<80x128xf32, #tpu.memory_space<vmem>>) offsets(%dma_start3A_3 : memref<80xi32, #tpu.memory_space<vmem>>) semaphore(%arg8 : memref<!tpu.dma_semaphore, #tpu.memory_space<semaphore_mem>>)
    %dma_wait3A = arith.constant 0 : i32
    %dma_wait3A_7 = tpu.memref_slice %arg5[%dma_wait3A] : memref<640xi32, #tpu.memory_space<vmem>> -> memref<80xi32, #tpu.memory_space<vmem>>
    %dma_wait3A_8 = arith.constant 0 : i32
    %dma_wait3A_9 = arith.constant 0 : i32
    %dma_wait3A_10 = tpu.memref_slice %arg2[%dma_wait3A_8, %dma_wait3A_9] : memref<1000x128xf32, #tpu.memory_space<hbm>> -> memref<1000x128xf32, #tpu.memory_space<hbm>>
    tpu.wait_indirect_dma semaphore(%arg8 : memref<!tpu.dma_semaphore, #tpu.memory_space<semaphore_mem>>) src(%dma_wait3A_10 : memref<1000x128xf32, #tpu.memory_space<hbm>>) dst(%arg6 : memref<80x128xf32, #tpu.memory_space<vmem>>)
    %add3A_11 = arith.constant 0 : i32
    %add3A_12 = arith.addi %mul3A_2, %add3A_11 : i32
    %dma_start3A_13 = arith.constant 0 : i32
    %dma_start3A_14 = tpu.memref_slice %arg4[%add3A_12, %dma_start3A_13] : memref<20480x128xf32, #tpu.memory_space<hbm>> -> memref<80x128xf32, #tpu.memory_space<hbm>>
    %dma_start3A_15 = arith.constant 0 : i32
    %dma_start3A_16 = tpu.memref_slice %arg4[%add3A_12, %dma_start3A_15] : memref<20480x128xf32, #tpu.memory_space<hbm>> -> memref<80x128xf32, #tpu.memory_space<hbm>>
    tpu.enqueue_dma source(%arg6 : memref<80x128xf32, #tpu.memory_space<vmem>>) target(%dma_start3A_16 : memref<80x128xf32, #tpu.memory_space<hbm>>) target_semaphore(%arg10 : memref<!tpu.dma_semaphore, #tpu.memory_space<semaphore_mem>>)
    %dma_start3A_17 = arith.constant 80 : i32
    %dma_start3A_18 = tpu.memref_slice %arg5[%dma_start3A_17] : memref<640xi32, #tpu.memory_space<vmem>> -> memref<80xi32, #tpu.memory_space<vmem>>
    %dma_start3A_19 = arith.constant 0 : i32
    %dma_start3A_20 = arith.constant 0 : i32
    %dma_start3A_21 = tpu.memref_slice %arg2[%dma_start3A_19, %dma_start3A_20] : memref<1000x128xf32, #tpu.memory_space<hbm>> -> memref<1000x128xf32, #tpu.memory_space<hbm>>
    tpu.enqueue_indirect_dma source(%dma_start3A_21 : memref<1000x128xf32, #tpu.memory_space<hbm>>) target(%arg7 : memref<80x128xf32, #tpu.memory_space<vmem>>) offsets(%dma_start3A_18 : memref<80xi32, #tpu.memory_space<vmem>>) semaphore(%arg9 : memref<!tpu.dma_semaphore, #tpu.memory_space<semaphore_mem>>)
    %scan3A = arith.constant 0 : i32
    %scan3A_22 = arith.constant 0 : i32
    %scan3A_23 = arith.constant 3 : i32
    %scan3A_24 = arith.addi %scan3A_22, %scan3A_23 : i32
    %scan3A_25 = arith.constant 1 : i32
    scf.for %scan3A_46 = %scan3A_22 to %scan3A_24 step %scan3A_25  : i32 {
      %mul3A_47 = arith.constant 2 : i32
      %mul3A_48 = arith.muli %mul3A_47, %scan3A_46 : i32
      %add3A_49 = arith.constant 1 : i32
      %add3A_50 = arith.addi %add3A_49, %mul3A_48 : i32
      %dma_wait3A_51 = arith.constant 0 : i32
      %dma_wait3A_52 = tpu.memref_slice %arg5[%dma_wait3A_51] : memref<640xi32, #tpu.memory_space<vmem>> -> memref<80xi32, #tpu.memory_space<vmem>>
      %dma_wait3A_53 = arith.constant 0 : i32
      %dma_wait3A_54 = arith.constant 0 : i32
      %dma_wait3A_55 = tpu.memref_slice %arg2[%dma_wait3A_53, %dma_wait3A_54] : memref<1000x128xf32, #tpu.memory_space<hbm>> -> memref<1000x128xf32, #tpu.memory_space<hbm>>
      tpu.wait_indirect_dma semaphore(%arg9 : memref<!tpu.dma_semaphore, #tpu.memory_space<semaphore_mem>>) src(%dma_wait3A_55 : memref<1000x128xf32, #tpu.memory_space<hbm>>) dst(%arg7 : memref<80x128xf32, #tpu.memory_space<vmem>>)
      %dma_wait3A_56 = arith.constant 0 : i32
      %dma_wait3A_57 = tpu.memref_slice %arg4[%mul3A_2, %dma_wait3A_56] : memref<20480x128xf32, #tpu.memory_space<hbm>> -> memref<80x128xf32, #tpu.memory_space<hbm>>
      %dma_wait3A_58 = arith.constant 0 : i32
      %dma_wait3A_59 = tpu.memref_slice %arg4[%mul3A_2, %dma_wait3A_58] : memref<20480x128xf32, #tpu.memory_space<hbm>> -> memref<80x128xf32, #tpu.memory_space<hbm>>
      tpu.wait_dma2 semaphore(%arg10 : memref<!tpu.dma_semaphore, #tpu.memory_space<semaphore_mem>>) src(%arg6 : memref<80x128xf32, #tpu.memory_space<vmem>>) dst(%dma_wait3A_59 : memref<80x128xf32, #tpu.memory_space<hbm>>)
      %add3A_60 = arith.constant 1 : i32
      %add3A_61 = arith.addi %add3A_50, %add3A_60 : i32
      %mul3A_62 = arith.constant 80 : i32
      %mul3A_63 = arith.muli %add3A_61, %mul3A_62 : i32
      %dma_start3A_64 = tpu.memref_slice %arg5[%mul3A_63] : memref<640xi32, #tpu.memory_space<vmem>> -> memref<80xi32, #tpu.memory_space<vmem>>
      %dma_start3A_65 = arith.constant 0 : i32
      %dma_start3A_66 = arith.constant 0 : i32
      %dma_start3A_67 = tpu.memref_slice %arg2[%dma_start3A_65, %dma_start3A_66] : memref<1000x128xf32, #tpu.memory_space<hbm>> -> memref<1000x128xf32, #tpu.memory_space<hbm>>
      tpu.enqueue_indirect_dma source(%dma_start3A_67 : memref<1000x128xf32, #tpu.memory_space<hbm>>) target(%arg6 : memref<80x128xf32, #tpu.memory_space<vmem>>) offsets(%dma_start3A_64 : memref<80xi32, #tpu.memory_space<vmem>>) semaphore(%arg8 : memref<!tpu.dma_semaphore, #tpu.memory_space<semaphore_mem>>)
      %mul3A_68 = arith.constant 80 : i32
      %mul3A_69 = arith.muli %add3A_50, %mul3A_68 : i32
      %add3A_70 = arith.addi %mul3A_2, %mul3A_69 : i32
      %dma_start3A_71 = arith.constant 0 : i32
      %dma_start3A_72 = tpu.memref_slice %arg4[%add3A_70, %dma_start3A_71] : memref<20480x128xf32, #tpu.memory_space<hbm>> -> memref<80x128xf32, #tpu.memory_space<hbm>>
      %dma_start3A_73 = arith.constant 0 : i32
      %dma_start3A_74 = tpu.memref_slice %arg4[%add3A_70, %dma_start3A_73] : memref<20480x128xf32, #tpu.memory_space<hbm>> -> memref<80x128xf32, #tpu.memory_space<hbm>>
      tpu.enqueue_dma source(%arg7 : memref<80x128xf32, #tpu.memory_space<vmem>>) target(%dma_start3A_74 : memref<80x128xf32, #tpu.memory_space<hbm>>) target_semaphore(%arg11 : memref<!tpu.dma_semaphore, #tpu.memory_space<semaphore_mem>>)
      %dma_wait3A_75 = arith.constant 0 : i32
      %dma_wait3A_76 = tpu.memref_slice %arg5[%dma_wait3A_75] : memref<640xi32, #tpu.memory_space<vmem>> -> memref<80xi32, #tpu.memory_space<vmem>>
      %dma_wait3A_77 = arith.constant 0 : i32
      %dma_wait3A_78 = arith.constant 0 : i32
      %dma_wait3A_79 = tpu.memref_slice %arg2[%dma_wait3A_77, %dma_wait3A_78] : memref<1000x128xf32, #tpu.memory_space<hbm>> -> memref<1000x128xf32, #tpu.memory_space<hbm>>
      tpu.wait_indirect_dma semaphore(%arg8 : memref<!tpu.dma_semaphore, #tpu.memory_space<semaphore_mem>>) src(%dma_wait3A_79 : memref<1000x128xf32, #tpu.memory_space<hbm>>) dst(%arg6 : memref<80x128xf32, #tpu.memory_space<vmem>>)
      %dma_wait3A_80 = arith.constant 0 : i32
      %dma_wait3A_81 = tpu.memref_slice %arg4[%mul3A_2, %dma_wait3A_80] : memref<20480x128xf32, #tpu.memory_space<hbm>> -> memref<80x128xf32, #tpu.memory_space<hbm>>
      %dma_wait3A_82 = arith.constant 0 : i32
      %dma_wait3A_83 = tpu.memref_slice %arg4[%mul3A_2, %dma_wait3A_82] : memref<20480x128xf32, #tpu.memory_space<hbm>> -> memref<80x128xf32, #tpu.memory_space<hbm>>
      tpu.wait_dma2 semaphore(%arg11 : memref<!tpu.dma_semaphore, #tpu.memory_space<semaphore_mem>>) src(%arg7 : memref<80x128xf32, #tpu.memory_space<vmem>>) dst(%dma_wait3A_83 : memref<80x128xf32, #tpu.memory_space<hbm>>)
      %add3A_84 = arith.constant 2 : i32
      %add3A_85 = arith.addi %add3A_50, %add3A_84 : i32
      %min3A = arith.constant 7 : i32
      %min3A_86 = arith.minsi %add3A_85, %min3A : i32
      %mul3A_87 = arith.constant 80 : i32
      %mul3A_88 = arith.muli %min3A_86, %mul3A_87 : i32
      %dma_start3A_89 = tpu.memref_slice %arg5[%mul3A_88] : memref<640xi32, #tpu.memory_space<vmem>> -> memref<80xi32, #tpu.memory_space<vmem>>
      %dma_start3A_90 = arith.constant 0 : i32
      %dma_start3A_91 = arith.constant 0 : i32
      %dma_start3A_92 = tpu.memref_slice %arg2[%dma_start3A_90, %dma_start3A_91] : memref<1000x128xf32, #tpu.memory_space<hbm>> -> memref<1000x128xf32, #tpu.memory_space<hbm>>
      tpu.enqueue_indirect_dma source(%dma_start3A_92 : memref<1000x128xf32, #tpu.memory_space<hbm>>) target(%arg7 : memref<80x128xf32, #tpu.memory_space<vmem>>) offsets(%dma_start3A_89 : memref<80xi32, #tpu.memory_space<vmem>>) semaphore(%arg9 : memref<!tpu.dma_semaphore, #tpu.memory_space<semaphore_mem>>)
      %add3A_93 = arith.constant 1 : i32
      %add3A_94 = arith.addi %add3A_50, %add3A_93 : i32
      %mul3A_95 = arith.constant 80 : i32
      %mul3A_96 = arith.muli %add3A_94, %mul3A_95 : i32
      %add3A_97 = arith.addi %mul3A_2, %mul3A_96 : i32
      %dma_start3A_98 = arith.constant 0 : i32
      %dma_start3A_99 = tpu.memref_slice %arg4[%add3A_97, %dma_start3A_98] : memref<20480x128xf32, #tpu.memory_space<hbm>> -> memref<80x128xf32, #tpu.memory_space<hbm>>
      %dma_start3A_100 = arith.constant 0 : i32
      %dma_start3A_101 = tpu.memref_slice %arg4[%add3A_97, %dma_start3A_100] : memref<20480x128xf32, #tpu.memory_space<hbm>> -> memref<80x128xf32, #tpu.memory_space<hbm>>
      tpu.enqueue_dma source(%arg6 : memref<80x128xf32, #tpu.memory_space<vmem>>) target(%dma_start3A_101 : memref<80x128xf32, #tpu.memory_space<hbm>>) target_semaphore(%arg10 : memref<!tpu.dma_semaphore, #tpu.memory_space<semaphore_mem>>)
    }
    %scan3A_26 = arith.constant 3 : i32
    %dma_wait3A_27 = arith.constant 0 : i32
    %dma_wait3A_28 = tpu.memref_slice %arg5[%dma_wait3A_27] : memref<640xi32, #tpu.memory_space<vmem>> -> memref<80xi32, #tpu.memory_space<vmem>>
    %dma_wait3A_29 = arith.constant 0 : i32
    %dma_wait3A_30 = arith.constant 0 : i32
    %dma_wait3A_31 = tpu.memref_slice %arg2[%dma_wait3A_29, %dma_wait3A_30] : memref<1000x128xf32, #tpu.memory_space<hbm>> -> memref<1000x128xf32, #tpu.memory_space<hbm>>
    tpu.wait_indirect_dma semaphore(%arg9 : memref<!tpu.dma_semaphore, #tpu.memory_space<semaphore_mem>>) src(%dma_wait3A_31 : memref<1000x128xf32, #tpu.memory_space<hbm>>) dst(%arg7 : memref<80x128xf32, #tpu.memory_space<vmem>>)
    %dma_wait3A_32 = arith.constant 0 : i32
    %dma_wait3A_33 = tpu.memref_slice %arg4[%mul3A_2, %dma_wait3A_32] : memref<20480x128xf32, #tpu.memory_space<hbm>> -> memref<80x128xf32, #tpu.memory_space<hbm>>
    %dma_wait3A_34 = arith.constant 0 : i32
    %dma_wait3A_35 = tpu.memref_slice %arg4[%mul3A_2, %dma_wait3A_34] : memref<20480x128xf32, #tpu.memory_space<hbm>> -> memref<80x128xf32, #tpu.memory_space<hbm>>
    tpu.wait_dma2 semaphore(%arg10 : memref<!tpu.dma_semaphore, #tpu.memory_space<semaphore_mem>>) src(%arg6 : memref<80x128xf32, #tpu.memory_space<vmem>>) dst(%dma_wait3A_35 : memref<80x128xf32, #tpu.memory_space<hbm>>)
    %add3A_36 = arith.constant 560 : i32
    %add3A_37 = arith.addi %mul3A_2, %add3A_36 : i32
    %dma_start3A_38 = arith.constant 0 : i32
    %dma_start3A_39 = tpu.memref_slice %arg4[%add3A_37, %dma_start3A_38] : memref<20480x128xf32, #tpu.memory_space<hbm>> -> memref<80x128xf32, #tpu.memory_space<hbm>>
    %dma_start3A_40 = arith.constant 0 : i32
    %dma_start3A_41 = tpu.memref_slice %arg4[%add3A_37, %dma_start3A_40] : memref<20480x128xf32, #tpu.memory_space<hbm>> -> memref<80x128xf32, #tpu.memory_space<hbm>>
    tpu.enqueue_dma source(%arg7 : memref<80x128xf32, #tpu.memory_space<vmem>>) target(%dma_start3A_41 : memref<80x128xf32, #tpu.memory_space<hbm>>) target_semaphore(%arg11 : memref<!tpu.dma_semaphore, #tpu.memory_space<semaphore_mem>>)
    %dma_wait3A_42 = arith.constant 0 : i32
    %dma_wait3A_43 = tpu.memref_slice %arg4[%mul3A_2, %dma_wait3A_42] : memref<20480x128xf32, #tpu.memory_space<hbm>> -> memref<80x128xf32, #tpu.memory_space<hbm>>
    %dma_wait3A_44 = arith.constant 0 : i32
    %dma_wait3A_45 = tpu.memref_slice %arg4[%mul3A_2, %dma_wait3A_44] : memref<20480x128xf32, #tpu.memory_space<hbm>> -> memref<80x128xf32, #tpu.memory_space<hbm>>
    tpu.wait_dma2 semaphore(%arg11 : memref<!tpu.dma_semaphore, #tpu.memory_space<semaphore_mem>>) src(%arg7 : memref<80x128xf32, #tpu.memory_space<vmem>>) dst(%dma_wait3A_45 : memref<80x128xf32, #tpu.memory_space<hbm>>)
    return
  }
}

module attributes {stable_mosaic.version = 14 : i64} {
  func.func @_proj_body(%arg0: i32, %arg1: memref<2x1024x128xf32, #tpu.memory_space<vmem>>, %arg2: memref<1000x16xf32, #tpu.memory_space<vmem>>, %arg3: memref<1000x1xf32, #tpu.memory_space<vmem>>, %arg4: memref<2x1000x1024xf32, #tpu.memory_space<vmem>>) attributes {dimension_semantics = [#tpu.dimension_semantics<arbitrary>], iteration_bounds = array<i64: 10>, scalar_prefetch = 0 : i64, scratch_operands = 0 : i64, tpu.core_type = #tpu.core_type<tc>, window_params = [{transform_indices = @transform_0, window_bounds = array<i64: 2, 1024, 128>}, {pipeline_mode = #tpu.pipeline_mode<synchronous>, transform_indices = @transform_1, window_bounds = array<i64: 1000, 16>}, {pipeline_mode = #tpu.pipeline_mode<synchronous>, transform_indices = @transform_2, window_bounds = array<i64: 1000, 1>}, {transform_indices = @transform_3, window_bounds = array<i64: 2, 1000, 1024>}]} {
    %get3A = arith.constant 0 : index
    %get3A_0 = arith.constant 0 : index
    %get3A_1 = arith.constant 0 : index
    %get3A_2 = vector.load %arg1[%get3A, %get3A_0, %get3A_1] : memref<2x1024x128xf32, #tpu.memory_space<vmem>>, vector<1x1024x16xf32>
    %get3A_3 = vector.shape_cast %get3A_2 : vector<1x1024x16xf32> to vector<1024x16xf32>
    %get3A_4 = arith.constant 0 : index
    %get3A_5 = arith.constant 0 : index
    %get3A_6 = vector.load %arg2[%get3A_4, %get3A_5] : memref<1000x16xf32, #tpu.memory_space<vmem>>, vector<1000x16xf32>
    %dot_general3A = arith.constant dense<0.000000e+00> : vector<1000x1024xf32>
    %dot_general3A_7 = tpu.matmul %get3A_6, %get3A_3, %dot_general3A {dimension_numbers = #tpu.dot_dimension_numbers<[1], [1], [0], [0], [0, 0, 1, 0], [], []>, transpose_lhs_hint = false} : vector<1000x16xf32>, vector<1024x16xf32>, vector<1000x1024xf32> -> vector<1000x1024xf32>
    %get3A_8 = arith.constant 0 : index
    %get3A_9 = arith.constant 0 : index
    %get3A_10 = vector.load %arg3[%get3A_8, %get3A_9] : memref<1000x1xf32, #tpu.memory_space<vmem>>, vector<1000x1xf32>
    %add3A = vector.broadcast %get3A_10 : vector<1000x1xf32> to vector<1000x1024xf32>
    %add3A_11 = arith.addf %dot_general3A_7, %add3A : vector<1000x1024xf32>
    %swap3A = arith.constant 0 : index
    %swap3A_12 = arith.constant 0 : index
    %swap3A_13 = arith.constant 0 : index
    %swap3A_14 = vector.load %arg4[%swap3A, %swap3A_12, %swap3A_13] : memref<2x1000x1024xf32, #tpu.memory_space<vmem>>, vector<1x1000x1024xf32>
    %swap3A_15 = vector.shape_cast %swap3A_14 : vector<1x1000x1024xf32> to vector<1000x1024xf32>
    %swap3A_16 = vector.shape_cast %add3A_11 : vector<1000x1024xf32> to vector<1x1000x1024xf32>
    tpu.vector_store %arg4[%swap3A, %swap3A_12, %swap3A_13], %swap3A_16 {strides = array<i32>} : memref<2x1000x1024xf32, #tpu.memory_space<vmem>>, vector<1x1000x1024xf32>,
    %get3A_17 = arith.constant 1 : index
    %get3A_18 = arith.constant 0 : index
    %get3A_19 = arith.constant 0 : index
    %get3A_20 = vector.load %arg1[%get3A_17, %get3A_18, %get3A_19] : memref<2x1024x128xf32, #tpu.memory_space<vmem>>, vector<1x1024x16xf32>
    %get3A_21 = vector.shape_cast %get3A_20 : vector<1x1024x16xf32> to vector<1024x16xf32>
    %get3A_22 = arith.constant 0 : index
    %get3A_23 = arith.constant 0 : index
    %get3A_24 = vector.load %arg2[%get3A_22, %get3A_23] : memref<1000x16xf32, #tpu.memory_space<vmem>>, vector<1000x16xf32>
    %dot_general3A_25 = arith.constant dense<0.000000e+00> : vector<1000x1024xf32>
    %dot_general3A_26 = tpu.matmul %get3A_24, %get3A_21, %dot_general3A_25 {dimension_numbers = #tpu.dot_dimension_numbers<[1], [1], [0], [0], [0, 0, 1, 0], [], []>, transpose_lhs_hint = false} : vector<1000x16xf32>, vector<1024x16xf32>, vector<1000x1024xf32> -> vector<1000x1024xf32>
    %get3A_27 = arith.constant 0 : index
    %get3A_28 = arith.constant 0 : index
    %get3A_29 = vector.load %arg3[%get3A_27, %get3A_28] : memref<1000x1xf32, #tpu.memory_space<vmem>>, vector<1000x1xf32>
    %add3A_30 = vector.broadcast %get3A_29 : vector<1000x1xf32> to vector<1000x1024xf32>
    %add3A_31 = arith.addf %dot_general3A_26, %add3A_30 : vector<1000x1024xf32>
    %swap3A_32 = arith.constant 1 : index
    %swap3A_33 = arith.constant 0 : index
    %swap3A_34 = arith.constant 0 : index
    %swap3A_35 = vector.load %arg4[%swap3A_32, %swap3A_33, %swap3A_34] : memref<2x1000x1024xf32, #tpu.memory_space<vmem>>, vector<1x1000x1024xf32>
    %swap3A_36 = vector.shape_cast %swap3A_35 : vector<1x1000x1024xf32> to vector<1000x1024xf32>
    %swap3A_37 = vector.shape_cast %add3A_31 : vector<1000x1024xf32> to vector<1x1000x1024xf32>
    tpu.vector_store %arg4[%swap3A_32, %swap3A_33, %swap3A_34], %swap3A_37 {strides = array<i32>} : memref<2x1000x1024xf32, #tpu.memory_space<vmem>>, vector<1x1000x1024xf32>,
    return
  }
  func.func @transform_0(%arg0: i32) -> (i32, i32, i32) {
    %c0_i32 = arith.constant 0 : i32
    %c0_i32_0 = arith.constant 0 : i32
    %c0_i32_1 = arith.constant 0 : i32
    return %arg0, %c0_i32, %c0_i32_0 : i32, i32, i32
  }
  func.func @transform_1(%arg0: i32) -> (i32, i32) {
    %c0_i32 = arith.constant 0 : i32
    %c0_i32_0 = arith.constant 0 : i32
    %c0_i32_1 = arith.constant 0 : i32
    return %c0_i32, %c0_i32_0 : i32, i32
  }
  func.func @transform_2(%arg0: i32) -> (i32, i32) {
    %c0_i32 = arith.constant 0 : i32
    %c0_i32_0 = arith.constant 0 : i32
    %c0_i32_1 = arith.constant 0 : i32
    return %c0_i32, %c0_i32_0 : i32, i32
  }
  func.func @transform_3(%arg0: i32) -> (i32, i32, i32) {
    %c0_i32 = arith.constant 0 : i32
    %c0_i32_0 = arith.constant 0 : i32
    %c0_i32_1 = arith.constant 0 : i32
    return %arg0, %c0_i32, %c0_i32_0 : i32, i32, i32
  }
}

module attributes {stable_mosaic.version = 14 : i64} {
  func.func @_proj_body_2(%arg0: i32, %arg1: memref<2x1024x128xf32, #tpu.memory_space<vmem>>, %arg2: memref<1000x16xf32, #tpu.memory_space<vmem>>, %arg3: memref<1000x1xf32, #tpu.memory_space<vmem>>, %arg4: memref<50x1000x1024xf32, #tpu.memory_space<any>>, %arg5: memref<2x1000x1024xf32, #tpu.memory_space<vmem>>) attributes {dimension_semantics = [#tpu.dimension_semantics<arbitrary>], iteration_bounds = array<i64: 15>, scalar_prefetch = 0 : i64, scratch_operands = 0 : i64, tpu.core_type = #tpu.core_type<tc>, window_params = [{transform_indices = @transform_0, window_bounds = array<i64: 2, 1024, 128>}, {pipeline_mode = #tpu.pipeline_mode<synchronous>, transform_indices = @transform_1, window_bounds = array<i64: 1000, 16>}, {pipeline_mode = #tpu.pipeline_mode<synchronous>, transform_indices = @transform_2, window_bounds = array<i64: 1000, 1>}, {}, {transform_indices = @transform_4, window_bounds = array<i64: 2, 1000, 1024>}]} {
    %get3A = arith.constant 0 : index
    %get3A_0 = arith.constant 0 : index
    %get3A_1 = arith.constant 0 : index
    %get3A_2 = vector.load %arg1[%get3A, %get3A_0, %get3A_1] : memref<2x1024x128xf32, #tpu.memory_space<vmem>>, vector<1x1024x16xf32>
    %get3A_3 = vector.shape_cast %get3A_2 : vector<1x1024x16xf32> to vector<1024x16xf32>
    %get3A_4 = arith.constant 0 : index
    %get3A_5 = arith.constant 0 : index
    %get3A_6 = vector.load %arg2[%get3A_4, %get3A_5] : memref<1000x16xf32, #tpu.memory_space<vmem>>, vector<1000x16xf32>
    %dot_general3A = arith.constant dense<0.000000e+00> : vector<1000x1024xf32>
    %dot_general3A_7 = tpu.matmul %get3A_6, %get3A_3, %dot_general3A {dimension_numbers = #tpu.dot_dimension_numbers<[1], [1], [0], [0], [0, 0, 1, 0], [], []>, transpose_lhs_hint = false} : vector<1000x16xf32>, vector<1024x16xf32>, vector<1000x1024xf32> -> vector<1000x1024xf32>
    %get3A_8 = arith.constant 0 : index
    %get3A_9 = arith.constant 0 : index
    %get3A_10 = vector.load %arg3[%get3A_8, %get3A_9] : memref<1000x1xf32, #tpu.memory_space<vmem>>, vector<1000x1xf32>
    %add3A = vector.broadcast %get3A_10 : vector<1000x1xf32> to vector<1000x1024xf32>
    %add3A_11 = arith.addf %dot_general3A_7, %add3A : vector<1000x1024xf32>
    %swap3A = arith.constant 0 : index
    %swap3A_12 = arith.constant 0 : index
    %swap3A_13 = arith.constant 0 : index
    %swap3A_14 = vector.load %arg5[%swap3A, %swap3A_12, %swap3A_13] : memref<2x1000x1024xf32, #tpu.memory_space<vmem>>, vector<1x1000x1024xf32>
    %swap3A_15 = vector.shape_cast %swap3A_14 : vector<1x1000x1024xf32> to vector<1000x1024xf32>
    %swap3A_16 = vector.shape_cast %add3A_11 : vector<1000x1024xf32> to vector<1x1000x1024xf32>
    tpu.vector_store %arg5[%swap3A, %swap3A_12, %swap3A_13], %swap3A_16 {strides = array<i32>} : memref<2x1000x1024xf32, #tpu.memory_space<vmem>>, vector<1x1000x1024xf32>,
    %get3A_17 = arith.constant 1 : index
    %get3A_18 = arith.constant 0 : index
    %get3A_19 = arith.constant 0 : index
    %get3A_20 = vector.load %arg1[%get3A_17, %get3A_18, %get3A_19] : memref<2x1024x128xf32, #tpu.memory_space<vmem>>, vector<1x1024x16xf32>
    %get3A_21 = vector.shape_cast %get3A_20 : vector<1x1024x16xf32> to vector<1024x16xf32>
    %get3A_22 = arith.constant 0 : index
    %get3A_23 = arith.constant 0 : index
    %get3A_24 = vector.load %arg2[%get3A_22, %get3A_23] : memref<1000x16xf32, #tpu.memory_space<vmem>>, vector<1000x16xf32>
    %dot_general3A_25 = arith.constant dense<0.000000e+00> : vector<1000x1024xf32>
    %dot_general3A_26 = tpu.matmul %get3A_24, %get3A_21, %dot_general3A_25 {dimension_numbers = #tpu.dot_dimension_numbers<[1], [1], [0], [0], [0, 0, 1, 0], [], []>, transpose_lhs_hint = false} : vector<1000x16xf32>, vector<1024x16xf32>, vector<1000x1024xf32> -> vector<1000x1024xf32>
    %get3A_27 = arith.constant 0 : index
    %get3A_28 = arith.constant 0 : index
    %get3A_29 = vector.load %arg3[%get3A_27, %get3A_28] : memref<1000x1xf32, #tpu.memory_space<vmem>>, vector<1000x1xf32>
    %add3A_30 = vector.broadcast %get3A_29 : vector<1000x1xf32> to vector<1000x1024xf32>
    %add3A_31 = arith.addf %dot_general3A_26, %add3A_30 : vector<1000x1024xf32>
    %swap3A_32 = arith.constant 1 : index
    %swap3A_33 = arith.constant 0 : index
    %swap3A_34 = arith.constant 0 : index
    %swap3A_35 = vector.load %arg5[%swap3A_32, %swap3A_33, %swap3A_34] : memref<2x1000x1024xf32, #tpu.memory_space<vmem>>, vector<1x1000x1024xf32>
    %swap3A_36 = vector.shape_cast %swap3A_35 : vector<1x1000x1024xf32> to vector<1000x1024xf32>
    %swap3A_37 = vector.shape_cast %add3A_31 : vector<1000x1024xf32> to vector<1x1000x1024xf32>
    tpu.vector_store %arg5[%swap3A_32, %swap3A_33, %swap3A_34], %swap3A_37 {strides = array<i32>} : memref<2x1000x1024xf32, #tpu.memory_space<vmem>>, vector<1x1000x1024xf32>,
    return
  }
  func.func @transform_0(%arg0: i32) -> (i32, i32, i32) {
    %c0_i32 = arith.constant 0 : i32
    %c0_i32_0 = arith.constant 0 : i32
    %c0_i32_1 = arith.constant 0 : i32
    return %arg0, %c0_i32, %c0_i32_0 : i32, i32, i32
  }
  func.func @transform_1(%arg0: i32) -> (i32, i32) {
    %c0_i32 = arith.constant 0 : i32
    %c0_i32_0 = arith.constant 0 : i32
    %c0_i32_1 = arith.constant 0 : i32
    return %c0_i32, %c0_i32_0 : i32, i32
  }
  func.func @transform_2(%arg0: i32) -> (i32, i32) {
    %c0_i32 = arith.constant 0 : i32
    %c0_i32_0 = arith.constant 0 : i32
    %c0_i32_1 = arith.constant 0 : i32
    return %c0_i32, %c0_i32_0 : i32, i32
  }
  func.func @transform_4(%arg0: i32) -> (i32, i32, i32) {
    %add3A = arith.constant 10 : i32
    %add3A_0 = arith.addi %arg0, %add3A : i32
    %c0_i32 = arith.constant 0 : i32
    %c0_i32_1 = arith.constant 0 : i32
    %c0_i32_2 = arith.constant 0 : i32
    return %add3A_0, %c0_i32, %c0_i32_1 : i32, i32, i32
  }
}

</mosaic_0001>

<sc_bundles>
// kernel: kernel.6.cloned.1.call-start
scs
__scs_entry_jumppad:
0x0: {  	(pc) =	sbr.rel $0x88, $3  }
0x1: {  	(tag) =	ssettag $0x0;
	lr =	simm.s32 $0x1  }
0x2: {  	[smem:$0x3F9D] =	sst lr;
	_ =	strace $0xD0000000  }
0x3: {  	_ = 	snop  }
0x4: {  	_ = 	snop  }
0x5: {  	_ = 	snop  }
0x6: {  	_ = 	snop  }
0x7: {  	_ = 	snop  }
__scs_overlays_trampoline_lowered:
0x8: {  	[smem:$0x3FAC] =	sst s0  }
0x9: {  	[smem:$0x3FAD] =	sst s1  }
0xa: {  	[smem:$0x3FAE] =	sst s2  }
0xb: {  	[smem:$0x3FAF] =	sst s3  }
0xc: {  	[smem:$0x3FB0] =	sst s4  }
0xd: {  	[smem:$0x3FB1] =	sst s5  }
0xe: {  	[smem:$0x3FB2] =	sst s6  }
0xf: {  	[smem:$0x3FB3] =	sst s7  }
0x10: {  	[smem:$0x3FB4] =	sst s8  }
0x11: {  	[smem:$0x3FB5] =	sst s9;
	s0 =	simm.s32 @!p0 $0x0  }
0x12: {  	s1 =	sld [smem:$0x3F9B];
	s0 =	simm.s32 @p0 $0x1  }
0x13: {  	[smem:$0x3FB6] =	sst s0;
	s0 =	simm.s32 @!p1 $0x0  }
0x14: {  	s2 =	sld [smem:$0x3F9A];
	s0 =	simm.s32 @p1 $0x1  }
0x15: {  	[smem:$0x3FB7] =	sst s0;
	s0 =	simm.s32 @!p2 $0x0  }
0x16: {  	s3 =	sld [smem:$0x3FDB];
	s0 =	simm.s32 @p2 $0x1  }
0x17: {  	s4 =	simm.s32 $0x1BF5;
	[smem:$0x3FB9] =	sst s0  }
0x18: {  	s0 =	sld [smem:$0x3F9C];
	_ =	swait.ge [sflag:s4], $0x0  }
0x19: {  	s7 =	sld [smem:$0x3F9D]  }
0x1a: {  	s8 =	sadd.s32 $0xFFFFE003, lr  }
0x1b: {  	s9 =	sadd.s32 $0xFFFFFEF7, lr;
	s5 =	simm.s32 $0xFFFFFFFF;
	p2 =	slt.u32 s8, $0xFFFFF086  }
0x1c: {  	p1 =	slt.u32 s9, $0xF7A;
	s5 =	simm.s32 @!p2 $0x0  }
0x1d: {  	s5 =	simm.s32 @p1 $0x1;
	p0 =	seq.s32 s7, s2  }
0x1e: {  	s7 =	smul.u32 @!p0 $0xF7A, s2;
	p2 =	seq.s32 @!p0 s5, $0x0  }
0x1f: {  	s9 =	smul.u32 $0xF7A, s1;
	s8 =	simm.s32 @!p0 $0x1BF5;
	p2 =	por !p2, p0  }
0x20: {  	[sflag:s8] =	ssyncset.s32 @!p0 $0xFFFFF086;
	s6 =	sadd.s32 @!p0 s3, s7;
	s7 =	simm.s32 @!p0 $0x108  }
0x21: {  	s3 =	sadd.s32 s3, s9;
	s6 =	sadd.s32 @!p0 $0x88, s6;
	s7 =	simm.s32 @p2 $0x1082  }
0x22: {  	[simem:s7], [sflag:s8] =	dma.local @!p0 [hbm:s6], $0xF7A  }
0x23: {  	s9 =	sor.u32 $0xD0000000, s2;
	s6 =	simm.s32 $0x108;
	_ =	swait.ge @!p0 [sflag:s8], $0x0  }
0x24: {  	s3 =	sadd.s32 $0x88, s3;
	s6 =	simm.s32 @!p1 $0x1082;
	[sflag:s4] =	ssyncset.s32 $0xFFFFF086  }
0x25: {  	[simem:s6], [sflag:s4] =	dma.local [hbm:s3], $0xF7A  }
0x26: {  	[smem:$0x3F9D] =	sst s1;
	(tag) =	ssettag s2;
	_ =	strace s9  }
0x27: {  	s1 =	sld [smem:$0x3FAD]  }
0x28: {  	s2 =	sld [smem:$0x3FAE]  }
0x29: {  	s4 =	sld [smem:$0x3FB0]  }
0x2a: {  	p0 =	seq.s32 s5, $0x0;
	s5 =	sld [smem:$0x3FB1]  }
0x2b: {  	s6 =	sld [smem:$0x3FB2]  }
0x2c: {  	s7 =	sld [smem:$0x3FB3]  }
0x2d: {  	s3 =	simm.s32 $0x108;
	s8 =	sld [smem:$0x3FB4]  }
0x2e: {  	s3 =	simm.s32 @!p0 $0x1082;
	s9 =	sld [smem:$0x3FB5]  }
0x2f: {  	lr =	sadd.s32 s0, s3;
	s0 =	sld [smem:$0x3FAC]  }
0x30: {  	s3 =	sld [smem:$0x3FAF]  }
0x31: {  	[smem:$0x3FB8] =	sst s10  }
0x32: {  	s10 =	sld [smem:$0x3FB6];
	_ =	sdelay $0x3  }
0x33: {  	p0 =	seq.s32 s10, $0x1;
	s10 =	sld [smem:$0x3FB8];
	_ =	sdelay $0x3  }
0x34: {  	[smem:$0x3FB8] =	sst s10  }
0x35: {  	s10 =	sld [smem:$0x3FB7];
	_ =	sdelay $0x3  }
0x36: {  	p1 =	seq.s32 s10, $0x1;
	s10 =	sld [smem:$0x3FB8];
	_ =	sdelay $0x3  }
0x37: {  	[smem:$0x3FB8] =	sst s10  }
0x38: {  	s10 =	sld [smem:$0x3FB9]  }
0x39: {  	_ = 	snop;
	(pc) =	sbr.ind lr, $3  }
0x3a: {  	_ = 	snop  }
0x3b: {  	_ = 	snop  }
0x3c: {  	p2 =	seq.s32 s10, $0x1;
	s10 =	sld [smem:$0x3FB8]  }
0x3d: {  	_ =	shalt  }
0x3e: {  	_ =	shalt  }
0x3f: {  	_ =	shalt  }
0x40: {  	_ =	shalt  }
0x41: {  	_ =	shalt  }
0x42: {  	_ =	shalt  }
0x43: {  	_ =	shalt  }
0x44: {  	_ =	shalt  }
0x45: {  	_ =	shalt  }
0x46: {  	_ =	shalt  }
0x47: {  	_ =	shalt  }
0x48: {  	_ =	shalt  }
0x49: {  	_ =	shalt  }
0x4a: {  	_ =	shalt  }
0x4b: {  	_ =	shalt  }
0x4c: {  	_ =	shalt  }
0x4d: {  	_ =	shalt  }
0x4e: {  	_ =	shalt  }
0x4f: {  	_ =	shalt  }
0x50: {  	_ =	shalt  }
0x51: {  	_ =	shalt  }
0x52: {  	_ =	shalt  }
0x53: {  	_ =	shalt  }
0x54: {  	_ =	shalt  }
0x55: {  	_ =	shalt  }
0x56: {  	_ =	shalt  }
0x57: {  	_ =	shalt  }
0x58: {  	_ =	shalt  }
0x59: {  	_ =	shalt  }
0x5a: {  	_ =	shalt  }
0x5b: {  	_ =	shalt  }
0x5c: {  	_ =	shalt  }
0x5d: {  	_ =	shalt  }
0x5e: {  	_ =	shalt  }
0x5f: {  	_ =	shalt  }
0x60: {  	_ =	shalt  }
0x61: {  	_ =	shalt  }
0x62: {  	_ =	shalt  }
0x63: {  	_ =	shalt  }
0x64: {  	_ =	shalt  }
0x65: {  	_ =	shalt  }
0x66: {  	_ =	shalt  }
0x67: {  	_ =	shalt  }
0x68: {  	_ =	shalt  }
0x69: {  	_ =	shalt  }
0x6a: {  	_ =	shalt  }
0x6b: {  	_ =	shalt  }
0x6c: {  	_ =	shalt  }
0x6d: {  	_ =	shalt  }
0x6e: {  	_ =	shalt  }
0x6f: {  	_ =	shalt  }
0x70: {  	_ =	shalt  }
0x71: {  	_ =	shalt  }
0x72: {  	_ =	shalt  }
0x73: {  	_ =	shalt  }
0x74: {  	_ =	shalt  }
0x75: {  	_ =	shalt  }
0x76: {  	_ =	shalt  }
0x77: {  	_ =	shalt  }
0x78: {  	_ =	shalt  }
0x79: {  	_ =	shalt  }
0x7a: {  	_ =	shalt  }
0x7b: {  	_ =	shalt  }
0x7c: {  	_ =	shalt  }
0x7d: {  	_ =	shalt  }
0x7e: {  	_ =	shalt  }
0x7f: {  	_ =	shalt  }
0x80: {  	_ =	shalt  }
0x81: {  	_ =	shalt  }
0x82: {  	_ =	shalt  }
0x83: {  	_ =	shalt  }
0x84: {  	_ =	shalt  }
0x85: {  	_ =	shalt  }
0x86: {  	_ =	shalt  }
0x87: {  	_ =	shalt  }
.Lfunc_end0:
.L_simem_size_0:
called_computation_lowered:
.L_overlay_start_0:
0x88: {  	s2 =	sld [smem:$0x3FD9]  }
0x89: {  	s3 =	sld [smem:$0x3FFE];
	_ =	sdelay $0x1  }
0x8a: {  	s1 =	srdreg.scid  }
0x8b: {  	s0 =	sand.u32 $0x1, s1  }
0x8c: {  	s17 =	sshll.u32 s0, $0xA;
	s2 =	sadd.s32 s3, s2  }
0x8d: {  	s2 =	sadd.s32 s2, s17  }
0x8e: {  	[smem:$0x3FC4] =	sst s2  }
0x8f: {  	_ = 	snop  }
0x90: {  	s2 =	sld [smem:$0x3FD0];
	(tm) =	ssettm $0x1  }
0x91: {  	s18 =	sld [smem:$0x3FFB];
	_ =	sdelay $0x3  }
0x92: {  	_ =	strace s18  }
0x93: {  	s3 =	sld [smem:$0x3FFC];
	_ =	sdelay $0x3  }
0x94: {  	_ =	strace s3  }
0x95: {  	s3 =	sld [smem:$0x3FFD];
	_ =	sdelay $0x3  }
0x96: {  	_ =	strace s3  }
0x97: {  	_ =	strace $0x8FFFFFFF  }
0x98: {  	s19 =	sld [smem:$0x3FDB];
	_ =	sdelay $0x1  }
0x99: {  	s4 =	simm.s32 $_scs_section_size  }
0x9a: {  	s5 =	simm.s32 $_size__tile_overlayer_lowered;
	s6 =	simm.s32 $_tile_overlayer_lowered  }
0x9b: {  	s22 =	simm.s32 $0x1BFF;
	s21 =	sshll.u32 s6, $0x1;
	s3 =	sadd.s32 s4, s19  }
0x9c: {  	s7 =	simm.s32 $0x0;
	s20 =	sshll.u32 s5, $0x1;
	s5 =	sadd.s32 s21, s3  }
0x9d: {  	[timem:s7], [sflag:s22] =	dma.local [hbm:s5], s20  }
0x9e: {  	_ =	swait.ge [sflag:s22], s20  }
0x9f: {  	s4 =	ssub.s32 $0x0, s20;
	[sflag:s22] =	ssyncset.done $0x0  }
0xa0: {  	[sflag:s22] =	ssyncadd.s32 s4;
	_ =	sdelay $0x1  }
0xa1: {  	s23 =	simm.s32 $0x1B8B  }
0xa2: {  	_ =	swait.ge [sflag:s23], $0x1  }
0xa3: {  	[sflag:s23] =	ssyncset.done $0x0  }
0xa4: {  	s25 =	simm.s32 $0x1B8E;
	s24 =	sld [smem:$0x3FFE];
	[sflag:s23] =	ssyncadd.s32 $0xFFFFFFFF  }
0xa5: {  	s26 =	simm.s32 $execute0_lowered;
	[smem:$0x3FD2] =	sst s25  }
0xa6: {  	s5 =	sshll.u32 s26, $0x1;
	_ =	strace $0x80000046;
	[dreg:$0x1] =	wrdreg $0xFFFFFFFF  }
0xa7: {  	s28 =	simm.s32 $_size_execute0_lowered;
	s3 =	sadd.s32 s3, s5;
	[dreg:$0x0] =	wrdreg $0x0  }
0xa8: {  	s5 =	sshll.u32 s28, $0x1;
	[dreg:$0x2] =	wrdreg s3  }
0xa9: {  	[dreg:$0x3] =	wrdreg s5  }
0xaa: {  	[dreg:$0x4] =	wrdreg $0xC0  }
0xab: {  	_ =	task [dreg:s7], $0x5FFFF  }
0xac: {  	[dreg:$0x1] =	wrdreg $0xFFFFFFFF  }
0xad: {  	[dreg:$0x0] =	wrdreg $0x60  }
0xae: {  	[dreg:$0x2] =	wrdreg s24  }
0xaf: {  	[dreg:$0x3] =	wrdreg s2  }
0xb0: {  	[dreg:$0x4] =	wrdreg $0x9  }
0xb1: {  	_ =	task.clear_ibuf [dreg:s7], $0x5FFFF;
	_ =	strace $0x90000046  }
0xb2: {  	s29 =	simm.s32 $0x9;
	_ =	strace $0x80000048  }
0xb3: {  	_ =	swait.ge [sflag:s29], $0x1  }
0xb4: {  	[sflag:s29] =	ssyncadd.s32 $0xFFFFFFFF  }
0xb5: {  	_ =	strace $0x90000048  }
0xb6: {  	_ =	sfence  }
0xb7: {  	s30 =	sld [smem:$0x0];
	_ =	sdelay $0x2  }
0xb8: {  	s31 =	sshll.u32 s1, $0xD;
	s1 =	sshrl.u32 s1, $0x2  }
0xb9: {  	s3 =	sand.u32 $0x4000, s31;
	s1 =	sadd.s32 s1, s30  }
0xba: {  	s0 =	sor.u32 s3, s0;
	s1 =	sshll.u32 s1, $0x11  }
0xbb: {  	s0 =	sor.u32 s1, s0  }
0xbc: {  	s0 =	sadd.s32 $0x8F2B, s0  }
0xbd: {  	[sflag:s0] =	ssyncadd.remote.s32 $0x1  }
0xbe: {  	_ =	sfence.sel $0xFFFF  }
0xbf: {  	[dreg:$0x0] =	wrdreg $0xFFFFFFFF;
	(pc) =	sbr.abs _section_cstart, $3  }
0xc0: {  	[dreg:$0x1] =	wrdreg $0xFFFFFFFF  }
0xc1: {  	_ =	task.clear_ibuf [dreg:s7], $0x2FFFF;
	_ =	strace $0x9FFFFFFF  }
0xc2: {  	(tm) =	ssettm $0x7FFFFFFF  }
0xc3: {  	_ =	shalt  }
tec
execute0_lowered:
.L_overlay_start_1:
0x0: {  	(tag) =	ssettag $0x1  }
0x1: {  	s1 =	srdreg.scid;
	s0 =	stileid.u32  }
0x2: {  	s28 =	sand.u32 $0x1, s1;
	s31 =	sshll.u32 s0, $0x1  }
0x3: {  	s29 =	sor.u32 s28, s31  }
0x4: {  	s5 =	rddreg [dreg:$0x0];
	s3 =	smul.u32 $0x50, s29  }
0x5: {  	s26 =	rddreg [dreg:$0x1];
	s2 =	simm.s32 $0x0  }
0x6: {  	s4 =	simm.s32 $0x5;
	[smem:$0x7FF] =	sst s2;
	s3 =	sadd.s32 s3, s5  }
0x7: {  	s1 =	rddreg [dreg:$0x2];
	_ =	strace $0x80000047;
	s3 =	sadd.s32 $0xC00, s3  }
0x8: {  	[tilespmem:s2], [sflag:$0x5] =	stream.linear.gather [hbm4b:s3+s2], $0x280, $0x38;
	[tilespmem:$0x5280] =	vst v63  }
0x9: {  	_ =	swait.ge [sflag:s4], $0x280  }
0xa: {  	s6 =	simm.s32 $0x50;
	s7 =	simm.s32 $0x280;
	[sflag:s4] =	ssyncset.done $0x0  }
0xb: {  	s8 =	simm.s32 $0x1;
	s5 =	sadd.s32 $0x1600, s5;
	[sflag:s4] =	ssyncadd.s32 $0xFFFFFD80  }
0xc: {  	[tilespmem:s7], [sflag:$0x1] =	stream.indirect.gather [hbm4b:s5+s6], $0x80, s2, s6, $0xb8;
	[tilespmem:$0x5280] =	vst v63  }
0xd: {  	s9 =	smul.u32 $0x2800, s29;
	_ =	swait.ge [sflag:s8], $0x2800  }
0xe: {  	[sflag:s8] =	ssyncset.done $0x0  }
0xf: {  	s9 =	sadd.s32 s26, s9;
	[sflag:s8] =	ssyncadd.s32 $0xFFFFD800  }
0x10: {  	[hbm4b:s9+s2] =	stream.linear.scatter [tilespmem:s7], [sflag:$0x3], $0x2800, $0x38;
	[tilespmem:$0x5280] =	vst v63  }
0x11: {  	s10 =	simm.s32 $0x2A80;
	s11 =	simm.s32 $0x2  }
0x12: {  	[tilespmem:s10], [sflag:$0x2] =	stream.indirect.gather [hbm4b:s5+s6], $0x80, s6, s6, $0xb8;
	[tilespmem:$0x5280] =	vst v63  }
0x13: {  	_ =	swait.ge [sflag:s11], $0x2800  }
0x14: {  	[sflag:s11] =	ssyncset.done $0x0  }
0x15: {  	s12 =	simm.s32 $0x3;
	[sflag:s11] =	ssyncadd.s32 $0xFFFFD800  }
0x16: {  	_ =	swait.ge [sflag:s12], $0x2800  }
0x17: {  	[sflag:s12] =	ssyncset.done $0x0  }
0x18: {  	s13 =	simm.s32 $0xA0;
	[sflag:s12] =	ssyncadd.s32 $0xFFFFD800  }
0x19: {  	[tilespmem:s7], [sflag:$0x1] =	stream.indirect.gather [hbm4b:s5+s6], $0x80, s13, s6, $0xb8;
	[tilespmem:$0x5280] =	vst v63  }
0x1a: {  	s14 =	sadd.s32 $0x500, s9  }
0x1b: {  	[hbm4b:s14+s2] =	stream.linear.scatter [tilespmem:s10], [sflag:$0x4], $0x2800, $0x38;
	[tilespmem:$0x5280] =	vst v63  }
0x1c: {  	_ =	swait.ge [sflag:s8], $0x2800  }
0x1d: {  	[sflag:s8] =	ssyncset.done $0x0  }
0x1e: {  	s15 =	simm.s32 $0x4;
	[sflag:s8] =	ssyncadd.s32 $0xFFFFD800  }
0x1f: {  	_ =	swait.ge [sflag:s15], $0x2800  }
0x20: {  	[sflag:s15] =	ssyncset.done $0x0  }
0x21: {  	s16 =	simm.s32 $0xF0;
	[sflag:s15] =	ssyncadd.s32 $0xFFFFD800  }
0x22: {  	[tilespmem:s10], [sflag:$0x2] =	stream.indirect.gather [hbm4b:s5+s6], $0x80, s16, s6, $0xb8;
	[tilespmem:$0x5280] =	vst v63  }
0x23: {  	s17 =	sadd.s32 $0xA00, s9  }
0x24: {  	[hbm4b:s17+s2] =	stream.linear.scatter [tilespmem:s7], [sflag:$0x3], $0x2800, $0x38;
	[tilespmem:$0x5280] =	vst v63  }
0x25: {  	_ =	swait.ge [sflag:s11], $0x2800  }
0x26: {  	[sflag:s11] =	ssyncset.done $0x0  }
0x27: {  	[sflag:s11] =	ssyncadd.s32 $0xFFFFD800  }
0x28: {  	_ =	swait.ge [sflag:s12], $0x2800  }
0x29: {  	[sflag:s12] =	ssyncset.done $0x0  }
0x2a: {  	s18 =	simm.s32 $0x140;
	[sflag:s12] =	ssyncadd.s32 $0xFFFFD800  }
0x2b: {  	[tilespmem:s7], [sflag:$0x1] =	stream.indirect.gather [hbm4b:s5+s6], $0x80, s18, s6, $0xb8;
	[tilespmem:$0x5280] =	vst v63  }
0x2c: {  	s19 =	sadd.s32 $0xF00, s9  }
0x2d: {  	[hbm4b:s19+s2] =	stream.linear.scatter [tilespmem:s10], [sflag:$0x4], $0x2800, $0x38;
	[tilespmem:$0x5280] =	vst v63  }
0x2e: {  	_ =	swait.ge [sflag:s8], $0x2800  }
0x2f: {  	[sflag:s8] =	ssyncset.done $0x0  }
0x30: {  	[sflag:s8] =	ssyncadd.s32 $0xFFFFD800  }
0x31: {  	_ =	swait.ge [sflag:s15], $0x2800  }
0x32: {  	[sflag:s15] =	ssyncset.done $0x0  }
0x33: {  	s20 =	simm.s32 $0x190;
	[sflag:s15] =	ssyncadd.s32 $0xFFFFD800  }
0x34: {  	[tilespmem:s10], [sflag:$0x2] =	stream.indirect.gather [hbm4b:s5+s6], $0x80, s20, s6, $0xb8;
	[tilespmem:$0x5280] =	vst v63  }
0x35: {  	s21 =	sadd.s32 $0x1400, s9  }
0x36: {  	[hbm4b:s21+s2] =	stream.linear.scatter [tilespmem:s7], [sflag:$0x3], $0x2800, $0x38;
	[tilespmem:$0x5280] =	vst v63  }
0x37: {  	_ =	swait.ge [sflag:s11], $0x2800  }
0x38: {  	[sflag:s11] =	ssyncset.done $0x0  }
0x39: {  	[sflag:s11] =	ssyncadd.s32 $0xFFFFD800  }
0x3a: {  	_ =	swait.ge [sflag:s12], $0x2800  }
0x3b: {  	[sflag:s12] =	ssyncset.done $0x0  }
0x3c: {  	s22 =	simm.s32 $0x1E0;
	[sflag:s12] =	ssyncadd.s32 $0xFFFFD800  }
0x3d: {  	[tilespmem:s7], [sflag:$0x1] =	stream.indirect.gather [hbm4b:s5+s6], $0x80, s22, s6, $0xb8;
	[tilespmem:$0x5280] =	vst v63  }
0x3e: {  	s23 =	sadd.s32 $0x1900, s9  }
0x3f: {  	[hbm4b:s23+s2] =	stream.linear.scatter [tilespmem:s10], [sflag:$0x4], $0x2800, $0x38;
	[tilespmem:$0x5280] =	vst v63  }
0x40: {  	_ =	swait.ge [sflag:s8], $0x2800  }
0x41: {  	[sflag:s8] =	ssyncset.done $0x0  }
0x42: {  	[sflag:s8] =	ssyncadd.s32 $0xFFFFD800  }
0x43: {  	_ =	swait.ge [sflag:s15], $0x2800  }
0x44: {  	[sflag:s15] =	ssyncset.done $0x0  }
0x45: {  	s24 =	simm.s32 $0x230;
	[sflag:s15] =	ssyncadd.s32 $0xFFFFD800  }
0x46: {  	[tilespmem:s10], [sflag:$0x2] =	stream.indirect.gather [hbm4b:s5+s6], $0x80, s24, s6, $0xb8;
	[tilespmem:$0x5280] =	vst v63  }
0x47: {  	s28 =	ssub.s32 $0x2, s28;
	s25 =	sadd.s32 $0x1E00, s9  }
0x48: {  	[hbm4b:s25+s2] =	stream.linear.scatter [tilespmem:s7], [sflag:$0x3], $0x2800, $0x38;
	[tilespmem:$0x5280] =	vst v63  }
0x49: {  	s30 =	sshrl.u32 s28, $0x1;
	_ =	swait.ge [sflag:s11], $0x2800  }
0x4a: {  	s29 =	smul.u32 $0x14000, s29;
	s28 =	ssub.s32 s28, s30;
	[sflag:s11] =	ssyncset.done $0x0  }
0x4b: {  	s28 =	smax.u32 s28, $0x1;
	[sflag:s11] =	ssyncadd.s32 $0xFFFFD800  }
0x4c: {  	s29 =	sshrl.u32 s29, $0x3;
	p0 =	sne.s32 s28, $0x1;
	_ =	swait.ge [sflag:s12], $0x2800  }
.Ltmp0:
0x4d: {  	s26 =	sadd.s32 s26, s29;
	[sflag:s12] =	ssyncset.done $0x0;
	(pc) =	sbr.rel @!p0 .LBB2_2-.Ltmp0, $4  }
0x4e: {  	s26 =	sadd.s32 $0x2300, s26;
	[sflag:s12] =	ssyncadd.s32 $0xFFFFD800  }
0x4f: {  	[hbm4b:s26+s2] =	stream.linear.scatter [tilespmem:s10], [sflag:$0x4], $0x2800, $0x38;
	[tilespmem:$0x5280] =	vst v63  }
0x50: {  	_ =	swait.ge [sflag:s15], $0x2800  }
0x51: {  	s28 =	sadd.s32 $0xFFFFFFFF, s28;
	[sflag:s15] =	ssyncset.done $0x0  }
.LBB2_1:
0x52: {  	p0 =	sne.s32 s28, $0x1;
	s28 =	sadd.s32 $0xFFFFFFFF, s28;
	[sflag:s15] =	ssyncadd.s32 $0xFFFFD800  }
0x53: {  	[tilespmem:s2], [sflag:$0x5] =	stream.linear.gather [hbm4b:s3+s2], $0x280, $0x38;
	[tilespmem:$0x5280] =	vst v63  }
0x54: {  	_ =	swait.ge [sflag:s4], $0x280  }
0x55: {  	[sflag:s4] =	ssyncset.done $0x0  }
0x56: {  	[sflag:s4] =	ssyncadd.s32 $0xFFFFFD80  }
0x57: {  	[tilespmem:s7], [sflag:$0x1] =	stream.indirect.gather [hbm4b:s5+s6], $0x80, s2, s6, $0xb8;
	[tilespmem:$0x5280] =	vst v63  }
0x58: {  	_ =	swait.ge [sflag:s8], $0x2800  }
0x59: {  	[sflag:s8] =	ssyncset.done $0x0  }
0x5a: {  	[sflag:s8] =	ssyncadd.s32 $0xFFFFD800  }
0x5b: {  	[hbm4b:s9+s2] =	stream.linear.scatter [tilespmem:s7], [sflag:$0x3], $0x2800, $0x38;
	[tilespmem:$0x5280] =	vst v63  }
0x5c: {  	_ = 	snop  }
0x5d: {  	[tilespmem:s10], [sflag:$0x2] =	stream.indirect.gather [hbm4b:s5+s6], $0x80, s6, s6, $0xb8;
	[tilespmem:$0x5280] =	vst v63  }
0x5e: {  	_ =	swait.ge [sflag:s11], $0x2800  }
0x5f: {  	[sflag:s11] =	ssyncset.done $0x0  }
0x60: {  	[sflag:s11] =	ssyncadd.s32 $0xFFFFD800  }
0x61: {  	_ =	swait.ge [sflag:s12], $0x2800  }
0x62: {  	[sflag:s12] =	ssyncset.done $0x0  }
0x63: {  	[sflag:s12] =	ssyncadd.s32 $0xFFFFD800  }
0x64: {  	[tilespmem:s7], [sflag:$0x1] =	stream.indirect.gather [hbm4b:s5+s6], $0x80, s13, s6, $0xb8;
	[tilespmem:$0x5280] =	vst v63  }
0x65: {  	_ = 	snop  }
0x66: {  	[hbm4b:s14+s2] =	stream.linear.scatter [tilespmem:s10], [sflag:$0x4], $0x2800, $0x38;
	[tilespmem:$0x5280] =	vst v63  }
0x67: {  	_ =	swait.ge [sflag:s8], $0x2800  }
0x68: {  	[sflag:s8] =	ssyncset.done $0x0  }
0x69: {  	[sflag:s8] =	ssyncadd.s32 $0xFFFFD800  }
0x6a: {  	_ =	swait.ge [sflag:s15], $0x2800  }
0x6b: {  	[sflag:s15] =	ssyncset.done $0x0  }
0x6c: {  	[sflag:s15] =	ssyncadd.s32 $0xFFFFD800  }
0x6d: {  	[tilespmem:s10], [sflag:$0x2] =	stream.indirect.gather [hbm4b:s5+s6], $0x80, s16, s6, $0xb8;
	[tilespmem:$0x5280] =	vst v63  }
0x6e: {  	_ = 	snop  }
0x6f: {  	[hbm4b:s17+s2] =	stream.linear.scatter [tilespmem:s7], [sflag:$0x3], $0x2800, $0x38;
	[tilespmem:$0x5280] =	vst v63  }
0x70: {  	_ =	swait.ge [sflag:s11], $0x2800  }
0x71: {  	[sflag:s11] =	ssyncset.done $0x0  }
0x72: {  	[sflag:s11] =	ssyncadd.s32 $0xFFFFD800  }
0x73: {  	_ =	swait.ge [sflag:s12], $0x2800  }
0x74: {  	[sflag:s12] =	ssyncset.done $0x0  }
0x75: {  	[sflag:s12] =	ssyncadd.s32 $0xFFFFD800  }
0x76: {  	[tilespmem:s7], [sflag:$0x1] =	stream.indirect.gather [hbm4b:s5+s6], $0x80, s18, s6, $0xb8;
	[tilespmem:$0x5280] =	vst v63  }
0x77: {  	_ = 	snop  }
0x78: {  	[hbm4b:s19+s2] =	stream.linear.scatter [tilespmem:s10], [sflag:$0x4], $0x2800, $0x38;
	[tilespmem:$0x5280] =	vst v63  }
0x79: {  	_ =	swait.ge [sflag:s8], $0x2800  }
0x7a: {  	[sflag:s8] =	ssyncset.done $0x0  }
0x7b: {  	[sflag:s8] =	ssyncadd.s32 $0xFFFFD800  }
0x7c: {  	_ =	swait.ge [sflag:s15], $0x2800  }
0x7d: {  	[sflag:s15] =	ssyncset.done $0x0  }
0x7e: {  	[sflag:s15] =	ssyncadd.s32 $0xFFFFD800  }
0x7f: {  	[tilespmem:s10], [sflag:$0x2] =	stream.indirect.gather [hbm4b:s5+s6], $0x80, s20, s6, $0xb8;
	[tilespmem:$0x5280] =	vst v63  }
0x80: {  	_ = 	snop  }
0x81: {  	[hbm4b:s21+s2] =	stream.linear.scatter [tilespmem:s7], [sflag:$0x3], $0x2800, $0x38;
	[tilespmem:$0x5280] =	vst v63  }
0x82: {  	_ =	swait.ge [sflag:s11], $0x2800  }
0x83: {  	[sflag:s11] =	ssyncset.done $0x0  }
0x84: {  	[sflag:s11] =	ssyncadd.s32 $0xFFFFD800  }
0x85: {  	_ =	swait.ge [sflag:s12], $0x2800  }
0x86: {  	[sflag:s12] =	ssyncset.done $0x0  }
0x87: {  	[sflag:s12] =	ssyncadd.s32 $0xFFFFD800  }
0x88: {  	[tilespmem:s7], [sflag:$0x1] =	stream.indirect.gather [hbm4b:s5+s6], $0x80, s22, s6, $0xb8;
	[tilespmem:$0x5280] =	vst v63  }
0x89: {  	_ = 	snop  }
0x8a: {  	[hbm4b:s23+s2] =	stream.linear.scatter [tilespmem:s10], [sflag:$0x4], $0x2800, $0x38;
	[tilespmem:$0x5280] =	vst v63  }
0x8b: {  	_ =	swait.ge [sflag:s8], $0x2800  }
0x8c: {  	[sflag:s8] =	ssyncset.done $0x0  }
0x8d: {  	[sflag:s8] =	ssyncadd.s32 $0xFFFFD800  }
0x8e: {  	_ =	swait.ge [sflag:s15], $0x2800  }
0x8f: {  	[sflag:s15] =	ssyncset.done $0x0  }
0x90: {  	[sflag:s15] =	ssyncadd.s32 $0xFFFFD800  }
0x91: {  	[tilespmem:s10], [sflag:$0x2] =	stream.indirect.gather [hbm4b:s5+s6], $0x80, s24, s6, $0xb8;
	[tilespmem:$0x5280] =	vst v63  }
0x92: {  	_ = 	snop  }
0x93: {  	[hbm4b:s25+s2] =	stream.linear.scatter [tilespmem:s7], [sflag:$0x3], $0x2800, $0x38;
	[tilespmem:$0x5280] =	vst v63  }
0x94: {  	_ =	swait.ge [sflag:s11], $0x2800  }
0x95: {  	[sflag:s11] =	ssyncset.done $0x0  }
0x96: {  	[sflag:s11] =	ssyncadd.s32 $0xFFFFD800  }
0x97: {  	_ =	swait.ge [sflag:s12], $0x2800  }
.Ltmp1:
0x98: {  	[sflag:s12] =	ssyncset.done $0x0;
	(pc) =	sbr.rel @p0 .LBB2_1-.Ltmp1, $4  }
0x99: {  	[sflag:s12] =	ssyncadd.s32 $0xFFFFD800  }
0x9a: {  	[hbm4b:s26+s2] =	stream.linear.scatter [tilespmem:s10], [sflag:$0x4], $0x2800, $0x38;
	[tilespmem:$0x5280] =	vst v63  }
0x9b: {  	_ =	swait.ge [sflag:s15], $0x2800  }
0x9c: {  	[sflag:s15] =	ssyncset.done $0x0  }
.LBB2_2:
0x9d: {  	[sflag:s15] =	ssyncadd.s32 $0xFFFFD800  }
0x9e: {  	_ =	sfence.sel $0x180000  }
0x9f: {  	[bflag:$0x0] =	sbarrier.arrive $0xFFFF  }
0xa0: {  	p0 =	sne.s32 s0, $0x0;
	_ =	strace $0x90000047  }
0xa1: {  	s0 =	sadd.s32 @!p0 $0x100000, s1;
	[bflag:$0x2] =	sbarrier.arrive $0xFFFF  }
0xa2: {  	[sflag:s0] =	ssyncadd.tile.s32 @!p0 $0x1;
	_ =	shalt  }
.Lfunc_end2:
_tile_overlayer_lowered:
.L_overlay_start_2:
0xa3: {  	(tag) =	ssettag $0x2  }
0xa4: {  	s0 =	rddreg [dreg:$0x0];
	s2 =	stileid.u32  }
0xa5: {  	s1 =	rddreg [dreg:$0x1];
	p0 =	sne.s32 s2, $0x0  }
0xa6: {  	s3 =	rddreg [dreg:$0x2];
	[bflag:$0x3] =	sbarrier.arrive $0xFFFF;
	s2 =	simm.s32 @!p0 $0x1C05  }
0xa7: {  	[timem:s3], [sflag:s2] =	dma.local @!p0 [hbm:s0], s1  }
0xa8: {  	s0 =	simm.s32 @!p0 $0x5  }
0xa9: {  	_ =	swait.ge @!p0 [sflag:s0], s1  }
0xaa: {  	s1 =	ssub.s32 @!p0 $0x0, s1;
	[sflag:s0] =	ssyncset.done @!p0 $0x0  }
0xab: {  	[sflag:s0] =	ssyncadd.s32 @!p0 s1  }
0xac: {  	[bflag:$0x3] =	sbarrier.arrive $0xFFFF  }
0xad: {  	_ =	shalt  }

// kernel: kernel.9.cloned.1.call-start
scs
__scs_entry_jumppad:
0x0: {  	(pc) =	sbr.rel $0x88, $3  }
0x1: {  	(tag) =	ssettag $0x0;
	lr =	simm.s32 $0x1  }
0x2: {  	[smem:$0x3F9D] =	sst lr;
	_ =	strace $0xD0000000  }
0x3: {  	_ = 	snop  }
0x4: {  	_ = 	snop  }
0x5: {  	_ = 	snop  }
0x6: {  	_ = 	snop  }
0x7: {  	_ = 	snop  }
__scs_overlays_trampoline_lowered:
0x8: {  	[smem:$0x3FAC] =	sst s0  }
0x9: {  	[smem:$0x3FAD] =	sst s1  }
0xa: {  	[smem:$0x3FAE] =	sst s2  }
0xb: {  	[smem:$0x3FAF] =	sst s3  }
0xc: {  	[smem:$0x3FB0] =	sst s4  }
0xd: {  	[smem:$0x3FB1] =	sst s5  }
0xe: {  	[smem:$0x3FB2] =	sst s6  }
0xf: {  	[smem:$0x3FB3] =	sst s7  }
0x10: {  	[smem:$0x3FB4] =	sst s8  }
0x11: {  	[smem:$0x3FB5] =	sst s9;
	s0 =	simm.s32 @!p0 $0x0  }
0x12: {  	s1 =	sld [smem:$0x3F9B];
	s0 =	simm.s32 @p0 $0x1  }
0x13: {  	[smem:$0x3FB6] =	sst s0;
	s0 =	simm.s32 @!p1 $0x0  }
0x14: {  	s2 =	sld [smem:$0x3F9A];
	s0 =	simm.s32 @p1 $0x1  }
0x15: {  	[smem:$0x3FB7] =	sst s0;
	s0 =	simm.s32 @!p2 $0x0  }
0x16: {  	s3 =	sld [smem:$0x3FDB];
	s0 =	simm.s32 @p2 $0x1  }
0x17: {  	s4 =	simm.s32 $0x1BF5;
	[smem:$0x3FB9] =	sst s0  }
0x18: {  	s0 =	sld [smem:$0x3F9C];
	_ =	swait.ge [sflag:s4], $0x0  }
0x19: {  	s7 =	sld [smem:$0x3F9D]  }
0x1a: {  	s8 =	sadd.s32 $0xFFFFE003, lr  }
0x1b: {  	s9 =	sadd.s32 $0xFFFFFEF7, lr;
	s5 =	simm.s32 $0xFFFFFFFF;
	p2 =	slt.u32 s8, $0xFFFFF086  }
0x1c: {  	p1 =	slt.u32 s9, $0xF7A;
	s5 =	simm.s32 @!p2 $0x0  }
0x1d: {  	s5 =	simm.s32 @p1 $0x1;
	p0 =	seq.s32 s7, s2  }
0x1e: {  	s7 =	smul.u32 @!p0 $0xF7A, s2;
	p2 =	seq.s32 @!p0 s5, $0x0  }
0x1f: {  	s9 =	smul.u32 $0xF7A, s1;
	s8 =	simm.s32 @!p0 $0x1BF5;
	p2 =	por !p2, p0  }
0x20: {  	[sflag:s8] =	ssyncset.s32 @!p0 $0xFFFFF086;
	s6 =	sadd.s32 @!p0 s3, s7;
	s7 =	simm.s32 @!p0 $0x108  }
0x21: {  	s3 =	sadd.s32 s3, s9;
	s6 =	sadd.s32 @!p0 $0x88, s6;
	s7 =	simm.s32 @p2 $0x1082  }
0x22: {  	[simem:s7], [sflag:s8] =	dma.local @!p0 [hbm:s6], $0xF7A  }
0x23: {  	s9 =	sor.u32 $0xD0000000, s2;
	s6 =	simm.s32 $0x108;
	_ =	swait.ge @!p0 [sflag:s8], $0x0  }
0x24: {  	s3 =	sadd.s32 $0x88, s3;
	s6 =	simm.s32 @!p1 $0x1082;
	[sflag:s4] =	ssyncset.s32 $0xFFFFF086  }
0x25: {  	[simem:s6], [sflag:s4] =	dma.local [hbm:s3], $0xF7A  }
0x26: {  	[smem:$0x3F9D] =	sst s1;
	(tag) =	ssettag s2;
	_ =	strace s9  }
0x27: {  	s1 =	sld [smem:$0x3FAD]  }
0x28: {  	s2 =	sld [smem:$0x3FAE]  }
0x29: {  	s4 =	sld [smem:$0x3FB0]  }
0x2a: {  	p0 =	seq.s32 s5, $0x0;
	s5 =	sld [smem:$0x3FB1]  }
0x2b: {  	s6 =	sld [smem:$0x3FB2]  }
0x2c: {  	s7 =	sld [smem:$0x3FB3]  }
0x2d: {  	s3 =	simm.s32 $0x108;
	s8 =	sld [smem:$0x3FB4]  }
0x2e: {  	s3 =	simm.s32 @!p0 $0x1082;
	s9 =	sld [smem:$0x3FB5]  }
0x2f: {  	lr =	sadd.s32 s0, s3;
	s0 =	sld [smem:$0x3FAC]  }
0x30: {  	s3 =	sld [smem:$0x3FAF]  }
0x31: {  	[smem:$0x3FB8] =	sst s10  }
0x32: {  	s10 =	sld [smem:$0x3FB6];
	_ =	sdelay $0x3  }
0x33: {  	p0 =	seq.s32 s10, $0x1;
	s10 =	sld [smem:$0x3FB8];
	_ =	sdelay $0x3  }
0x34: {  	[smem:$0x3FB8] =	sst s10  }
0x35: {  	s10 =	sld [smem:$0x3FB7];
	_ =	sdelay $0x3  }
0x36: {  	p1 =	seq.s32 s10, $0x1;
	s10 =	sld [smem:$0x3FB8];
	_ =	sdelay $0x3  }
0x37: {  	[smem:$0x3FB8] =	sst s10  }
0x38: {  	s10 =	sld [smem:$0x3FB9]  }
0x39: {  	_ = 	snop;
	(pc) =	sbr.ind lr, $3  }
0x3a: {  	_ = 	snop  }
0x3b: {  	_ = 	snop  }
0x3c: {  	p2 =	seq.s32 s10, $0x1;
	s10 =	sld [smem:$0x3FB8]  }
0x3d: {  	_ =	shalt  }
0x3e: {  	_ =	shalt  }
0x3f: {  	_ =	shalt  }
0x40: {  	_ =	shalt  }
0x41: {  	_ =	shalt  }
0x42: {  	_ =	shalt  }
0x43: {  	_ =	shalt  }
0x44: {  	_ =	shalt  }
0x45: {  	_ =	shalt  }
0x46: {  	_ =	shalt  }
0x47: {  	_ =	shalt  }
0x48: {  	_ =	shalt  }
0x49: {  	_ =	shalt  }
0x4a: {  	_ =	shalt  }
0x4b: {  	_ =	shalt  }
0x4c: {  	_ =	shalt  }
0x4d: {  	_ =	shalt  }
0x4e: {  	_ =	shalt  }
0x4f: {  	_ =	shalt  }
0x50: {  	_ =	shalt  }
0x51: {  	_ =	shalt  }
0x52: {  	_ =	shalt  }
0x53: {  	_ =	shalt  }
0x54: {  	_ =	shalt  }
0x55: {  	_ =	shalt  }
0x56: {  	_ =	shalt  }
0x57: {  	_ =	shalt  }
0x58: {  	_ =	shalt  }
0x59: {  	_ =	shalt  }
0x5a: {  	_ =	shalt  }
0x5b: {  	_ =	shalt  }
0x5c: {  	_ =	shalt  }
0x5d: {  	_ =	shalt  }
0x5e: {  	_ =	shalt  }
0x5f: {  	_ =	shalt  }
0x60: {  	_ =	shalt  }
0x61: {  	_ =	shalt  }
0x62: {  	_ =	shalt  }
0x63: {  	_ =	shalt  }
0x64: {  	_ =	shalt  }
0x65: {  	_ =	shalt  }
0x66: {  	_ =	shalt  }
0x67: {  	_ =	shalt  }
0x68: {  	_ =	shalt  }
0x69: {  	_ =	shalt  }
0x6a: {  	_ =	shalt  }
0x6b: {  	_ =	shalt  }
0x6c: {  	_ =	shalt  }
0x6d: {  	_ =	shalt  }
0x6e: {  	_ =	shalt  }
0x6f: {  	_ =	shalt  }
0x70: {  	_ =	shalt  }
0x71: {  	_ =	shalt  }
0x72: {  	_ =	shalt  }
0x73: {  	_ =	shalt  }
0x74: {  	_ =	shalt  }
0x75: {  	_ =	shalt  }
0x76: {  	_ =	shalt  }
0x77: {  	_ =	shalt  }
0x78: {  	_ =	shalt  }
0x79: {  	_ =	shalt  }
0x7a: {  	_ =	shalt  }
0x7b: {  	_ =	shalt  }
0x7c: {  	_ =	shalt  }
0x7d: {  	_ =	shalt  }
0x7e: {  	_ =	shalt  }
0x7f: {  	_ =	shalt  }
0x80: {  	_ =	shalt  }
0x81: {  	_ =	shalt  }
0x82: {  	_ =	shalt  }
0x83: {  	_ =	shalt  }
0x84: {  	_ =	shalt  }
0x85: {  	_ =	shalt  }
0x86: {  	_ =	shalt  }
0x87: {  	_ =	shalt  }
.Lfunc_end0:
.L_simem_size_0:
called_computation.1_lowered:
.L_overlay_start_0:
0x88: {  	s2 =	sld [smem:$0x3FD9]  }
0x89: {  	s3 =	sld [smem:$0x3FFE];
	_ =	sdelay $0x1  }
0x8a: {  	s1 =	srdreg.scid  }
0x8b: {  	s0 =	sand.u32 $0x1, s1  }
0x8c: {  	s17 =	sshll.u32 s0, $0xA;
	s2 =	sadd.s32 s3, s2  }
0x8d: {  	s2 =	sadd.s32 s2, s17  }
0x8e: {  	[smem:$0x3FC4] =	sst s2  }
0x8f: {  	_ = 	snop  }
0x90: {  	(tm) =	ssettm $0x1  }
0x91: {  	s18 =	sld [smem:$0x3FFB];
	_ =	sdelay $0x3  }
0x92: {  	_ =	strace s18  }
0x93: {  	s2 =	sld [smem:$0x3FFC];
	_ =	sdelay $0x3  }
0x94: {  	_ =	strace s2  }
0x95: {  	s2 =	sld [smem:$0x3FFD];
	_ =	sdelay $0x3  }
0x96: {  	_ =	strace s2  }
0x97: {  	_ =	strace $0x8FFFFFFF  }
0x98: {  	s19 =	sld [smem:$0x3FDB];
	_ =	sdelay $0x1  }
0x99: {  	s20 =	simm.s32 $_scs_section_size  }
0x9a: {  	s4 =	simm.s32 $_size__tile_overlayer_lowered;
	s5 =	simm.s32 $_tile_overlayer_lowered  }
0x9b: {  	s6 =	simm.s32 $0x1BFF;
	s21 =	sshll.u32 s5, $0x1;
	s3 =	sadd.s32 s20, s19  }
0x9c: {  	s22 =	simm.s32 $0x0;
	s4 =	sshll.u32 s4, $0x1;
	s5 =	sadd.s32 s21, s3  }
0x9d: {  	[timem:s22], [sflag:s6] =	dma.local [hbm:s5], s4  }
0x9e: {  	_ =	swait.ge [sflag:s6], s4  }
0x9f: {  	s4 =	ssub.s32 $0x0, s4;
	[sflag:s6] =	ssyncset.done $0x0  }
0xa0: {  	[sflag:s6] =	ssyncadd.s32 s4;
	_ =	sdelay $0x1  }
0xa1: {  	s23 =	simm.s32 $0x1B8B  }
0xa2: {  	_ =	swait.ge [sflag:s23], $0x1  }
0xa3: {  	[sflag:s23] =	ssyncset.done $0x0  }
0xa4: {  	[sflag:s23] =	ssyncadd.s32 $0xFFFFFFFF  }
0xa5: {  	s4 =	sld [smem:$0x0]  }
0xa6: {  	s5 =	sand.u32 $0xFFFFFFFE, s1  }
0xa7: {  	p0 =	sne.s32 s1, s5  }
0xa8: {  	s5 =	sshll.u32 @p0 s5, $0xE  }
0xa9: {  	s5 =	sadd.s32 @p0 $0x11B8D, s5;
	s6 =	sshll.u32 @p0 s4, $0x11  }
0xaa: {  	s5 =	sor.u32 @p0 s6, s5  }
0xab: {  	[sflag:s5] =	ssyncadd.remote.s32 @p0 $0x1;
	_ =	sdelay $0x1  }
0xac: {  	s5 =	simm.s32 @p0 $0x1B8D  }
0xad: {  	_ =	swait.eq @p0 [sflag:s5], $0x1  }
0xae: {  	[sflag:s5] =	ssyncadd.s32 @p0 $0xFFFFFFFF  }
0xaf: {  	s6 =	sshll.u32 @!p0 s1, $0xE  }
0xb0: {  	s6 =	sor.u32 @!p0 $0x4000, s6;
	s5 =	simm.s32 @!p0 $0x1B8D  }
0xb1: {  	s4 =	sshll.u32 @!p0 s4, $0x11;
	s6 =	sadd.s32 @!p0 $0x11B8D, s6;
	_ =	swait.eq @!p0 [sflag:s5], $0x1  }
0xb2: {  	s4 =	sor.u32 @!p0 s4, s6;
	[sflag:s5] =	ssyncadd.s32 @!p0 $0xFFFFFFFF  }
0xb3: {  	s25 =	simm.s32 $0x1B8E;
	s24 =	sld [smem:$0x3FFE];
	[sflag:s4] =	ssyncadd.remote.s32 @!p0 $0x1  }
0xb4: {  	s26 =	simm.s32 $execute0_lowered;
	[smem:$0x3FD2] =	sst s25  }
0xb5: {  	s5 =	sshll.u32 s26, $0x1;
	_ =	strace $0x80000049;
	[dreg:$0x1] =	wrdreg $0xFFFFFFFF  }
0xb6: {  	s28 =	simm.s32 $_size_execute0_lowered;
	s3 =	sadd.s32 s3, s5;
	[dreg:$0x0] =	wrdreg $0x0  }
0xb7: {  	s5 =	sshll.u32 s28, $0x1;
	[dreg:$0x2] =	wrdreg s3  }
0xb8: {  	[dreg:$0x3] =	wrdreg s5  }
0xb9: {  	[dreg:$0x4] =	wrdreg $0xC0  }
0xba: {  	_ =	task [dreg:s22], $0x5FFFF  }
0xbb: {  	[dreg:$0x1] =	wrdreg $0xFFFFFFFF  }
0xbc: {  	[dreg:$0x0] =	wrdreg $0x60  }
0xbd: {  	[dreg:$0x2] =	wrdreg s24  }
0xbe: {  	[dreg:$0x3] =	wrdreg $0xA  }
0xbf: {  	_ =	task.clear_ibuf [dreg:s22], $0x4FFFF;
	_ =	strace $0x90000049  }
0xc0: {  	s29 =	simm.s32 $0xA;
	_ =	strace $0x8000004B  }
0xc1: {  	_ =	swait.ge [sflag:s29], $0x1  }
0xc2: {  	[sflag:s29] =	ssyncadd.s32 $0xFFFFFFFF  }
0xc3: {  	_ =	strace $0x9000004B  }
0xc4: {  	_ =	sfence  }
0xc5: {  	s30 =	sld [smem:$0x0];
	_ =	sdelay $0x2  }
0xc6: {  	s31 =	sshll.u32 s1, $0xD;
	s1 =	sshrl.u32 s1, $0x2  }
0xc7: {  	s4 =	sand.u32 $0x4000, s31;
	s1 =	sadd.s32 s1, s30  }
0xc8: {  	s0 =	sor.u32 s4, s0;
	s1 =	sshll.u32 s1, $0x11  }
0xc9: {  	s0 =	sor.u32 s1, s0  }
0xca: {  	s0 =	sadd.s32 $0x8F2B, s0  }
0xcb: {  	[sflag:s0] =	ssyncadd.remote.s32 $0x1  }
0xcc: {  	_ =	sfence.sel $0xFFFF  }
0xcd: {  	[dreg:$0x0] =	wrdreg $0xFFFFFFFF;
	(pc) =	sbr.abs _section_cstart, $3  }
0xce: {  	[dreg:$0x1] =	wrdreg $0xFFFFFFFF  }
0xcf: {  	_ =	task.clear_ibuf [dreg:s22], $0x2FFFF;
	_ =	strace $0x9FFFFFFF  }
0xd0: {  	(tm) =	ssettm $0x7FFFFFFF  }
0xd1: {  	_ =	shalt  }
tec
execute0_lowered:
.L_overlay_start_1:
0x0: {  	(tag) =	ssettag $0x1  }
0x1: {  	s0 =	srdreg.scid  }
0x2: {  	s1 =	stileid.u32;
	s3 =	rddreg [dreg:$0x0];
	s2 =	simm.s32 $0x0  }
0x3: {  	s31 =	simm.s32 $0x5;
	s8 =	simm.s32 $0x50;
	s9 =	simm.s32 $0x400  }
0x4: {  	s12 =	simm.s32 $0x1;
	s10 =	simm.s32 $0x2;
	s7 =	simm.s32 $0x3  }
0x5: {  	s30 =	simm.s32 $0xA0;
	s29 =	simm.s32 $0xF0;
	s28 =	simm.s32 $0x140  }
0x6: {  	p0 =	por $0x0, $0x0;
	s0 =	sand.u32 $0x1, s0;
	s1 =	sshll.u32 s1, $0x1  }
0x7: {  	s21 =	simm.s32 $0x280;
	s19 =	simm.s32 $0x2D0;
	s1 =	sor.u32 s0, s1  }
0x8: {  	s17 =	simm.s32 $0x320;
	s15 =	simm.s32 $0x370;
	s4 =	smul.u32 $0x78, s1  }
0x9: {  	[smem:$0x7FF] =	sst s2;
	s0 =	ssub.s32 $0x2, s0;
	s5 =	smul.u32 $0x1E000, s1  }
0xa: {  	s6 =	sadd.s32 $0x6600, s3;
	s1 =	smul.u32 $0x3C00, s1;
	s23 =	sshrl.u32 s0, $0x1  }
0xb: {  	_ =	strace $0x8000004A;
	s0 =	ssub.s32 s0, s23;
	s23 =	simm.s32 $0x230  }
0xc: {  	s4 =	sadd.s32 s4, s3;
	s5 =	sshrl.u32 s5, $0x3;
	s26 =	sadd.s32 s6, s1  }
0xd: {  	s3 =	sadd.s32 $0x1600, s3;
	s0 =	smax.u32 s0, $0x1;
	s4 =	sadd.s32 $0x5600, s4  }
0xe: {  	s5 =	sadd.s32 s6, s5;
	s24 =	sadd.s32 $0x500, s26;
	s25 =	sadd.s32 $0xA00, s26  }
0xf: {  	s20 =	sadd.s32 $0x1400, s26;
	s18 =	sadd.s32 $0x1900, s26;
	s16 =	sadd.s32 $0x1E00, s26  }
0x10: {  	s14 =	sadd.s32 $0x2300, s26;
	s13 =	sadd.s32 $0x2800, s26;
	p1 =	sne.s32 s0, $0x1  }
.Ltmp0:
0x11: {  	s11 =	sadd.s32 $0x2D00, s26;
	[dreg:$0x2] =	wrdreg s4;
	(pc) =	sbr.rel @!p1 .LBB2_3-.Ltmp0, $4  }
0x12: {  	s6 =	sadd.s32 $0x3200, s26;
	s1 =	sadd.s32 $0xFFFFFFFF, s0;
	[dreg:$0x4] =	wrdreg s24  }
0x13: {  	s22 =	sadd.s32 $0x3700, s5;
	[dreg:$0x5] =	wrdreg s25;
	s4 =	simm.s32 $0x2C00  }
0x14: {  	s5 =	simm.s32 $0x4;
	s25 =	simm.s32 $0x190;
	[dreg:$0x3] =	wrdreg s22  }
0x15: {  	s24 =	simm.s32 $0x1E0;
	s22 =	sadd.s32 $0xF00, s26;
	s0 =	rddreg [dreg:$0x2]  }
0x16: {  	[tilespmem:s2], [sflag:$0x5] =	stream.linear.gather [hbm4b:s0+s2], $0x3C0, $0x38;
	[tilespmem:$0x5400] =	vst v63  }
0x17: {  	_ =	swait.ge [sflag:s31], $0x3C0  }
0x18: {  	[sflag:s31] =	ssyncset.done $0x0  }
0x19: {  	[sflag:s31] =	ssyncadd.s32 $0xFFFFFC40  }
0x1a: {  	[tilespmem:s9], [sflag:$0x1] =	stream.indirect.gather [hbm4b:s3+s8], $0x80, s2, s8, $0xb8;
	[tilespmem:$0x5400] =	vst v63  }
0x1b: {  	_ =	swait.ge [sflag:s12], $0x2800  }
0x1c: {  	[sflag:s12] =	ssyncset.done $0x0  }
0x1d: {  	[sflag:s12] =	ssyncadd.s32 $0xFFFFD800  }
0x1e: {  	[hbm4b:s26+s2] =	stream.linear.scatter [tilespmem:s9], [sflag:$0x3], $0x2800, $0x38;
	[tilespmem:$0x5400] =	vst v63  }
0x1f: {  	_ = 	snop  }
0x20: {  	[tilespmem:s4], [sflag:$0x2] =	stream.indirect.gather [hbm4b:s3+s8], $0x80, s8, s8, $0xb8;
	[tilespmem:$0x5400] =	vst v63  }
0x21: {  	_ =	swait.ge [sflag:s10], $0x2800  }
0x22: {  	[sflag:s10] =	ssyncset.done $0x0  }
0x23: {  	[sflag:s10] =	ssyncadd.s32 $0xFFFFD800  }
0x24: {  	_ =	swait.ge [sflag:s7], $0x2800  }
0x25: {  	[sflag:s7] =	ssyncset.done $0x0  }
0x26: {  	[sflag:s7] =	ssyncadd.s32 $0xFFFFD800  }
0x27: {  	[tilespmem:s9], [sflag:$0x1] =	stream.indirect.gather [hbm4b:s3+s8], $0x80, s30, s8, $0xb8;
	[tilespmem:$0x5400] =	vst v63  }
0x28: {  	s0 =	rddreg [dreg:$0x4]  }
0x29: {  	[hbm4b:s0+s2] =	stream.linear.scatter [tilespmem:s4], [sflag:$0x4], $0x2800, $0x38;
	[tilespmem:$0x5400] =	vst v63  }
0x2a: {  	_ =	swait.ge [sflag:s12], $0x2800  }
0x2b: {  	[sflag:s12] =	ssyncset.done $0x0  }
0x2c: {  	[sflag:s12] =	ssyncadd.s32 $0xFFFFD800  }
0x2d: {  	_ =	swait.ge [sflag:s5], $0x2800  }
0x2e: {  	[sflag:s5] =	ssyncset.done $0x0  }
0x2f: {  	[sflag:s5] =	ssyncadd.s32 $0xFFFFD800  }
0x30: {  	[tilespmem:s4], [sflag:$0x2] =	stream.indirect.gather [hbm4b:s3+s8], $0x80, s29, s8, $0xb8;
	[tilespmem:$0x5400] =	vst v63  }
0x31: {  	s0 =	rddreg [dreg:$0x5]  }
0x32: {  	[hbm4b:s0+s2] =	stream.linear.scatter [tilespmem:s9], [sflag:$0x3], $0x2800, $0x38;
	[tilespmem:$0x5400] =	vst v63  }
0x33: {  	_ =	swait.ge [sflag:s10], $0x2800  }
0x34: {  	[sflag:s10] =	ssyncset.done $0x0  }
0x35: {  	[sflag:s10] =	ssyncadd.s32 $0xFFFFD800  }
0x36: {  	_ =	swait.ge [sflag:s7], $0x2800  }
0x37: {  	[sflag:s7] =	ssyncset.done $0x0  }
0x38: {  	[sflag:s7] =	ssyncadd.s32 $0xFFFFD800  }
0x39: {  	[tilespmem:s9], [sflag:$0x1] =	stream.indirect.gather [hbm4b:s3+s8], $0x80, s28, s8, $0xb8;
	[tilespmem:$0x5400] =	vst v63  }
0x3a: {  	_ = 	snop  }
0x3b: {  	[hbm4b:s22+s2] =	stream.linear.scatter [tilespmem:s4], [sflag:$0x4], $0x2800, $0x38;
	[tilespmem:$0x5400] =	vst v63  }
0x3c: {  	_ =	swait.ge [sflag:s12], $0x2800  }
0x3d: {  	[sflag:s12] =	ssyncset.done $0x0  }
0x3e: {  	[sflag:s12] =	ssyncadd.s32 $0xFFFFD800  }
0x3f: {  	_ =	swait.ge [sflag:s5], $0x2800  }
0x40: {  	[sflag:s5] =	ssyncset.done $0x0  }
0x41: {  	[sflag:s5] =	ssyncadd.s32 $0xFFFFD800  }
0x42: {  	[tilespmem:s4], [sflag:$0x2] =	stream.indirect.gather [hbm4b:s3+s8], $0x80, s25, s8, $0xb8;
	[tilespmem:$0x5400] =	vst v63  }
0x43: {  	_ = 	snop  }
0x44: {  	[hbm4b:s20+s2] =	stream.linear.scatter [tilespmem:s9], [sflag:$0x3], $0x2800, $0x38;
	[tilespmem:$0x5400] =	vst v63  }
0x45: {  	_ =	swait.ge [sflag:s10], $0x2800  }
0x46: {  	[sflag:s10] =	ssyncset.done $0x0  }
0x47: {  	[sflag:s10] =	ssyncadd.s32 $0xFFFFD800  }
0x48: {  	_ =	swait.ge [sflag:s7], $0x2800  }
0x49: {  	[sflag:s7] =	ssyncset.done $0x0  }
0x4a: {  	[sflag:s7] =	ssyncadd.s32 $0xFFFFD800  }
0x4b: {  	[tilespmem:s9], [sflag:$0x1] =	stream.indirect.gather [hbm4b:s3+s8], $0x80, s24, s8, $0xb8;
	[tilespmem:$0x5400] =	vst v63  }
0x4c: {  	_ = 	snop  }
0x4d: {  	[hbm4b:s18+s2] =	stream.linear.scatter [tilespmem:s4], [sflag:$0x4], $0x2800, $0x38;
	[tilespmem:$0x5400] =	vst v63  }
0x4e: {  	_ =	swait.ge [sflag:s12], $0x2800  }
0x4f: {  	[sflag:s12] =	ssyncset.done $0x0  }
0x50: {  	[sflag:s12] =	ssyncadd.s32 $0xFFFFD800  }
0x51: {  	_ =	swait.ge [sflag:s5], $0x2800  }
0x52: {  	[sflag:s5] =	ssyncset.done $0x0  }
0x53: {  	[sflag:s5] =	ssyncadd.s32 $0xFFFFD800  }
0x54: {  	[tilespmem:s4], [sflag:$0x2] =	stream.indirect.gather [hbm4b:s3+s8], $0x80, s23, s8, $0xb8;
	[tilespmem:$0x5400] =	vst v63  }
0x55: {  	_ = 	snop  }
0x56: {  	[hbm4b:s16+s2] =	stream.linear.scatter [tilespmem:s9], [sflag:$0x3], $0x2800, $0x38;
	[tilespmem:$0x5400] =	vst v63  }
0x57: {  	_ =	swait.ge [sflag:s10], $0x2800  }
0x58: {  	[sflag:s10] =	ssyncset.done $0x0  }
0x59: {  	[sflag:s10] =	ssyncadd.s32 $0xFFFFD800  }
0x5a: {  	_ =	swait.ge [sflag:s7], $0x2800  }
0x5b: {  	[sflag:s7] =	ssyncset.done $0x0  }
0x5c: {  	[sflag:s7] =	ssyncadd.s32 $0xFFFFD800  }
0x5d: {  	[tilespmem:s9], [sflag:$0x1] =	stream.indirect.gather [hbm4b:s3+s8], $0x80, s21, s8, $0xb8;
	[tilespmem:$0x5400] =	vst v63  }
0x5e: {  	_ = 	snop  }
0x5f: {  	[hbm4b:s14+s2] =	stream.linear.scatter [tilespmem:s4], [sflag:$0x4], $0x2800, $0x38;
	[tilespmem:$0x5400] =	vst v63  }
0x60: {  	_ =	swait.ge [sflag:s12], $0x2800  }
0x61: {  	[sflag:s12] =	ssyncset.done $0x0  }
0x62: {  	[sflag:s12] =	ssyncadd.s32 $0xFFFFD800  }
0x63: {  	_ =	swait.ge [sflag:s5], $0x2800  }
0x64: {  	[sflag:s5] =	ssyncset.done $0x0  }
0x65: {  	[sflag:s5] =	ssyncadd.s32 $0xFFFFD800  }
0x66: {  	[tilespmem:s4], [sflag:$0x2] =	stream.indirect.gather [hbm4b:s3+s8], $0x80, s19, s8, $0xb8;
	[tilespmem:$0x5400] =	vst v63  }
0x67: {  	_ = 	snop  }
0x68: {  	[hbm4b:s13+s2] =	stream.linear.scatter [tilespmem:s9], [sflag:$0x3], $0x2800, $0x38;
	[tilespmem:$0x5400] =	vst v63  }
0x69: {  	_ =	swait.ge [sflag:s10], $0x2800  }
0x6a: {  	[sflag:s10] =	ssyncset.done $0x0  }
0x6b: {  	[sflag:s10] =	ssyncadd.s32 $0xFFFFD800  }
0x6c: {  	_ =	swait.ge [sflag:s7], $0x2800  }
0x6d: {  	[sflag:s7] =	ssyncset.done $0x0  }
0x6e: {  	[sflag:s7] =	ssyncadd.s32 $0xFFFFD800  }
0x6f: {  	[tilespmem:s9], [sflag:$0x1] =	stream.indirect.gather [hbm4b:s3+s8], $0x80, s17, s8, $0xb8;
	[tilespmem:$0x5400] =	vst v63  }
0x70: {  	_ = 	snop  }
0x71: {  	[hbm4b:s11+s2] =	stream.linear.scatter [tilespmem:s4], [sflag:$0x4], $0x2800, $0x38;
	[tilespmem:$0x5400] =	vst v63  }
0x72: {  	_ =	swait.ge [sflag:s12], $0x2800  }
0x73: {  	[sflag:s12] =	ssyncset.done $0x0  }
0x74: {  	[sflag:s12] =	ssyncadd.s32 $0xFFFFD800  }
0x75: {  	_ =	swait.ge [sflag:s5], $0x2800  }
0x76: {  	[sflag:s5] =	ssyncset.done $0x0  }
0x77: {  	[sflag:s5] =	ssyncadd.s32 $0xFFFFD800  }
0x78: {  	[tilespmem:s4], [sflag:$0x2] =	stream.indirect.gather [hbm4b:s3+s8], $0x80, s15, s8, $0xb8;
	[tilespmem:$0x5400] =	vst v63  }
0x79: {  	_ = 	snop  }
0x7a: {  	[hbm4b:s6+s2] =	stream.linear.scatter [tilespmem:s9], [sflag:$0x3], $0x2800, $0x38;
	[tilespmem:$0x5400] =	vst v63  }
0x7b: {  	_ =	swait.ge [sflag:s10], $0x2800  }
0x7c: {  	[sflag:s10] =	ssyncset.done $0x0  }
0x7d: {  	[sflag:s10] =	ssyncadd.s32 $0xFFFFD800  }
0x7e: {  	p1 =	sne.s32 s1, $0x1;
	_ =	swait.ge [sflag:s7], $0x2800  }
.Ltmp1:
0x7f: {  	[sflag:s7] =	ssyncset.done $0x0;
	(pc) =	sbr.rel @!p1 .LBB2_3-.Ltmp1, $4  }
0x80: {  	s0 =	rddreg [dreg:$0x3];
	[sflag:s7] =	ssyncadd.s32 $0xFFFFD800  }
0x81: {  	[hbm4b:s0+s2] =	stream.linear.scatter [tilespmem:s4], [sflag:$0x4], $0x2800, $0x38;
	[tilespmem:$0x5400] =	vst v63  }
0x82: {  	s1 =	sadd.s32 $0xFFFFFFFF, s1;
	_ =	swait.ge [sflag:s5], $0x2800  }
0x83: {  	p0 =	por $0x1, $0x1;
	s0 =	rddreg [dreg:$0x2];
	[sflag:s5] =	ssyncset.done $0x0  }
.LBB2_2:
0x84: {  	[sflag:s5] =	ssyncadd.s32 $0xFFFFD800  }
0x85: {  	[tilespmem:s2], [sflag:$0x5] =	stream.linear.gather [hbm4b:s0+s2], $0x3C0, $0x38;
	[tilespmem:$0x5400] =	vst v63  }
0x86: {  	_ =	swait.ge [sflag:s31], $0x3C0  }
0x87: {  	[sflag:s31] =	ssyncset.done $0x0  }
0x88: {  	[sflag:s31] =	ssyncadd.s32 $0xFFFFFC40  }
0x89: {  	[tilespmem:s9], [sflag:$0x1] =	stream.indirect.gather [hbm4b:s3+s8], $0x80, s2, s8, $0xb8;
	[tilespmem:$0x5400] =	vst v63  }
0x8a: {  	_ =	swait.ge [sflag:s12], $0x2800  }
0x8b: {  	[sflag:s12] =	ssyncset.done $0x0  }
0x8c: {  	[sflag:s12] =	ssyncadd.s32 $0xFFFFD800  }
0x8d: {  	[hbm4b:s26+s2] =	stream.linear.scatter [tilespmem:s9], [sflag:$0x3], $0x2800, $0x38;
	[tilespmem:$0x5400] =	vst v63  }
0x8e: {  	_ = 	snop  }
0x8f: {  	[tilespmem:s4], [sflag:$0x2] =	stream.indirect.gather [hbm4b:s3+s8], $0x80, s8, s8, $0xb8;
	[tilespmem:$0x5400] =	vst v63  }
0x90: {  	_ =	swait.ge [sflag:s10], $0x2800  }
0x91: {  	[sflag:s10] =	ssyncset.done $0x0  }
0x92: {  	[sflag:s10] =	ssyncadd.s32 $0xFFFFD800  }
0x93: {  	_ =	swait.ge [sflag:s7], $0x2800  }
0x94: {  	[sflag:s7] =	ssyncset.done $0x0  }
0x95: {  	[sflag:s7] =	ssyncadd.s32 $0xFFFFD800  }
0x96: {  	[tilespmem:s9], [sflag:$0x1] =	stream.indirect.gather [hbm4b:s3+s8], $0x80, s30, s8, $0xb8;
	[tilespmem:$0x5400] =	vst v63  }
0x97: {  	s0 =	rddreg [dreg:$0x4]  }
0x98: {  	[hbm4b:s0+s2] =	stream.linear.scatter [tilespmem:s4], [sflag:$0x4], $0x2800, $0x38;
	[tilespmem:$0x5400] =	vst v63  }
0x99: {  	_ =	swait.ge [sflag:s12], $0x2800  }
0x9a: {  	[sflag:s12] =	ssyncset.done $0x0  }
0x9b: {  	[sflag:s12] =	ssyncadd.s32 $0xFFFFD800  }
0x9c: {  	_ =	swait.ge [sflag:s5], $0x2800  }
0x9d: {  	[sflag:s5] =	ssyncset.done $0x0  }
0x9e: {  	[sflag:s5] =	ssyncadd.s32 $0xFFFFD800  }
0x9f: {  	[tilespmem:s4], [sflag:$0x2] =	stream.indirect.gather [hbm4b:s3+s8], $0x80, s29, s8, $0xb8;
	[tilespmem:$0x5400] =	vst v63  }
0xa0: {  	s0 =	rddreg [dreg:$0x5]  }
0xa1: {  	[hbm4b:s0+s2] =	stream.linear.scatter [tilespmem:s9], [sflag:$0x3], $0x2800, $0x38;
	[tilespmem:$0x5400] =	vst v63  }
0xa2: {  	_ =	swait.ge [sflag:s10], $0x2800  }
0xa3: {  	[sflag:s10] =	ssyncset.done $0x0  }
0xa4: {  	[sflag:s10] =	ssyncadd.s32 $0xFFFFD800  }
0xa5: {  	_ =	swait.ge [sflag:s7], $0x2800  }
0xa6: {  	[sflag:s7] =	ssyncset.done $0x0  }
0xa7: {  	[sflag:s7] =	ssyncadd.s32 $0xFFFFD800  }
0xa8: {  	[tilespmem:s9], [sflag:$0x1] =	stream.indirect.gather [hbm4b:s3+s8], $0x80, s28, s8, $0xb8;
	[tilespmem:$0x5400] =	vst v63  }
0xa9: {  	_ = 	snop  }
0xaa: {  	[hbm4b:s22+s2] =	stream.linear.scatter [tilespmem:s4], [sflag:$0x4], $0x2800, $0x38;
	[tilespmem:$0x5400] =	vst v63  }
0xab: {  	_ =	swait.ge [sflag:s12], $0x2800  }
0xac: {  	[sflag:s12] =	ssyncset.done $0x0  }
0xad: {  	[sflag:s12] =	ssyncadd.s32 $0xFFFFD800  }
0xae: {  	_ =	swait.ge [sflag:s5], $0x2800  }
0xaf: {  	[sflag:s5] =	ssyncset.done $0x0  }
0xb0: {  	[sflag:s5] =	ssyncadd.s32 $0xFFFFD800  }
0xb1: {  	[tilespmem:s4], [sflag:$0x2] =	stream.indirect.gather [hbm4b:s3+s8], $0x80, s25, s8, $0xb8;
	[tilespmem:$0x5400] =	vst v63  }
0xb2: {  	_ = 	snop  }
0xb3: {  	[hbm4b:s20+s2] =	stream.linear.scatter [tilespmem:s9], [sflag:$0x3], $0x2800, $0x38;
	[tilespmem:$0x5400] =	vst v63  }
0xb4: {  	_ =	swait.ge [sflag:s10], $0x2800  }
0xb5: {  	[sflag:s10] =	ssyncset.done $0x0  }
0xb6: {  	[sflag:s10] =	ssyncadd.s32 $0xFFFFD800  }
0xb7: {  	_ =	swait.ge [sflag:s7], $0x2800  }
0xb8: {  	[sflag:s7] =	ssyncset.done $0x0  }
0xb9: {  	[sflag:s7] =	ssyncadd.s32 $0xFFFFD800  }
0xba: {  	[tilespmem:s9], [sflag:$0x1] =	stream.indirect.gather [hbm4b:s3+s8], $0x80, s24, s8, $0xb8;
	[tilespmem:$0x5400] =	vst v63  }
0xbb: {  	_ = 	snop  }
0xbc: {  	[hbm4b:s18+s2] =	stream.linear.scatter [tilespmem:s4], [sflag:$0x4], $0x2800, $0x38;
	[tilespmem:$0x5400] =	vst v63  }
0xbd: {  	_ =	swait.ge [sflag:s12], $0x2800  }
0xbe: {  	[sflag:s12] =	ssyncset.done $0x0  }
0xbf: {  	[sflag:s12] =	ssyncadd.s32 $0xFFFFD800  }
0xc0: {  	_ =	swait.ge [sflag:s5], $0x2800  }
0xc1: {  	[sflag:s5] =	ssyncset.done $0x0  }
0xc2: {  	[sflag:s5] =	ssyncadd.s32 $0xFFFFD800  }
0xc3: {  	[tilespmem:s4], [sflag:$0x2] =	stream.indirect.gather [hbm4b:s3+s8], $0x80, s23, s8, $0xb8;
	[tilespmem:$0x5400] =	vst v63  }
0xc4: {  	_ = 	snop  }
0xc5: {  	[hbm4b:s16+s2] =	stream.linear.scatter [tilespmem:s9], [sflag:$0x3], $0x2800, $0x38;
	[tilespmem:$0x5400] =	vst v63  }
0xc6: {  	_ =	swait.ge [sflag:s10], $0x2800  }
0xc7: {  	[sflag:s10] =	ssyncset.done $0x0  }
0xc8: {  	[sflag:s10] =	ssyncadd.s32 $0xFFFFD800  }
0xc9: {  	_ =	swait.ge [sflag:s7], $0x2800  }
0xca: {  	[sflag:s7] =	ssyncset.done $0x0  }
0xcb: {  	[sflag:s7] =	ssyncadd.s32 $0xFFFFD800  }
0xcc: {  	[tilespmem:s9], [sflag:$0x1] =	stream.indirect.gather [hbm4b:s3+s8], $0x80, s21, s8, $0xb8;
	[tilespmem:$0x5400] =	vst v63  }
0xcd: {  	_ = 	snop  }
0xce: {  	[hbm4b:s14+s2] =	stream.linear.scatter [tilespmem:s4], [sflag:$0x4], $0x2800, $0x38;
	[tilespmem:$0x5400] =	vst v63  }
0xcf: {  	_ =	swait.ge [sflag:s12], $0x2800  }
0xd0: {  	[sflag:s12] =	ssyncset.done $0x0  }
0xd1: {  	[sflag:s12] =	ssyncadd.s32 $0xFFFFD800  }
0xd2: {  	_ =	swait.ge [sflag:s5], $0x2800  }
0xd3: {  	[sflag:s5] =	ssyncset.done $0x0  }
0xd4: {  	[sflag:s5] =	ssyncadd.s32 $0xFFFFD800  }
0xd5: {  	[tilespmem:s4], [sflag:$0x2] =	stream.indirect.gather [hbm4b:s3+s8], $0x80, s19, s8, $0xb8;
	[tilespmem:$0x5400] =	vst v63  }
0xd6: {  	_ = 	snop  }
0xd7: {  	[hbm4b:s13+s2] =	stream.linear.scatter [tilespmem:s9], [sflag:$0x3], $0x2800, $0x38;
	[tilespmem:$0x5400] =	vst v63  }
0xd8: {  	_ =	swait.ge [sflag:s10], $0x2800  }
0xd9: {  	[sflag:s10] =	ssyncset.done $0x0  }
0xda: {  	[sflag:s10] =	ssyncadd.s32 $0xFFFFD800  }
0xdb: {  	_ =	swait.ge [sflag:s7], $0x2800  }
0xdc: {  	[sflag:s7] =	ssyncset.done $0x0  }
0xdd: {  	[sflag:s7] =	ssyncadd.s32 $0xFFFFD800  }
0xde: {  	[tilespmem:s9], [sflag:$0x1] =	stream.indirect.gather [hbm4b:s3+s8], $0x80, s17, s8, $0xb8;
	[tilespmem:$0x5400] =	vst v63  }
0xdf: {  	_ = 	snop  }
0xe0: {  	[hbm4b:s11+s2] =	stream.linear.scatter [tilespmem:s4], [sflag:$0x4], $0x2800, $0x38;
	[tilespmem:$0x5400] =	vst v63  }
0xe1: {  	_ =	swait.ge [sflag:s12], $0x2800  }
0xe2: {  	[sflag:s12] =	ssyncset.done $0x0  }
0xe3: {  	[sflag:s12] =	ssyncadd.s32 $0xFFFFD800  }
0xe4: {  	_ =	swait.ge [sflag:s5], $0x2800  }
0xe5: {  	[sflag:s5] =	ssyncset.done $0x0  }
0xe6: {  	[sflag:s5] =	ssyncadd.s32 $0xFFFFD800  }
0xe7: {  	[tilespmem:s4], [sflag:$0x2] =	stream.indirect.gather [hbm4b:s3+s8], $0x80, s15, s8, $0xb8;
	[tilespmem:$0x5400] =	vst v63  }
0xe8: {  	_ = 	snop  }
0xe9: {  	[hbm4b:s6+s2] =	stream.linear.scatter [tilespmem:s9], [sflag:$0x3], $0x2800, $0x38;
	[tilespmem:$0x5400] =	vst v63  }
0xea: {  	_ =	swait.ge [sflag:s10], $0x2800  }
0xeb: {  	[sflag:s10] =	ssyncset.done $0x0  }
0xec: {  	[sflag:s10] =	ssyncadd.s32 $0xFFFFD800  }
0xed: {  	p1 =	sne.s32 s1, $0x1;
	_ =	swait.ge [sflag:s7], $0x2800  }
.Ltmp2:
0xee: {  	[sflag:s7] =	ssyncset.done $0x0;
	(pc) =	sbr.rel @p1 .LBB2_2-.Ltmp2, $4  }
0xef: {  	s0 =	rddreg [dreg:$0x3];
	[sflag:s7] =	ssyncadd.s32 $0xFFFFD800  }
0xf0: {  	[hbm4b:s0+s2] =	stream.linear.scatter [tilespmem:s4], [sflag:$0x4], $0x2800, $0x38;
	[tilespmem:$0x5400] =	vst v63  }
0xf1: {  	_ =	swait.ge [sflag:s5], $0x2800  }
0xf2: {  	s1 =	sadd.s32 $0xFFFFFFFF, s1;
	s0 =	rddreg [dreg:$0x2];
	[sflag:s5] =	ssyncset.done $0x0  }
.LBB2_3:
0xf3: {  	[sflag:s5] =	ssyncadd.s32 @p0 $0xFFFFD800  }
0xf4: {  	[tilespmem:s2], [sflag:$0x5] =	stream.linear.gather [hbm4b:s0+s2], $0x3C0, $0x38;
	[tilespmem:$0x5400] =	vst v63  }
0xf5: {  	_ =	swait.ge [sflag:s31], $0x3C0  }
0xf6: {  	[sflag:s31] =	ssyncset.done $0x0  }
0xf7: {  	[sflag:s31] =	ssyncadd.s32 $0xFFFFFC40  }
0xf8: {  	[tilespmem:s9], [sflag:$0x1] =	stream.indirect.gather [hbm4b:s3+s8], $0x80, s2, s8, $0xb8;
	[tilespmem:$0x5400] =	vst v63  }
0xf9: {  	_ =	swait.ge [sflag:s12], $0x2800  }
0xfa: {  	[sflag:s12] =	ssyncset.done $0x0  }
0xfb: {  	[sflag:s12] =	ssyncadd.s32 $0xFFFFD800  }
0xfc: {  	[hbm4b:s26+s2] =	stream.linear.scatter [tilespmem:s9], [sflag:$0x3], $0x2800, $0x38;
	[tilespmem:$0x5400] =	vst v63  }
0xfd: {  	_ = 	snop  }
0xfe: {  	[tilespmem:s4], [sflag:$0x2] =	stream.indirect.gather [hbm4b:s3+s8], $0x80, s8, s8, $0xb8;
	[tilespmem:$0x5400] =	vst v63  }
0xff: {  	_ =	swait.ge [sflag:s10], $0x2800  }
0x100: {  	[sflag:s10] =	ssyncset.done $0x0  }
0x101: {  	[sflag:s10] =	ssyncadd.s32 $0xFFFFD800  }
0x102: {  	_ =	swait.ge [sflag:s7], $0x2800  }
0x103: {  	[sflag:s7] =	ssyncset.done $0x0  }
0x104: {  	[sflag:s7] =	ssyncadd.s32 $0xFFFFD800  }
0x105: {  	[tilespmem:s9], [sflag:$0x1] =	stream.indirect.gather [hbm4b:s3+s8], $0x80, s30, s8, $0xb8;
	[tilespmem:$0x5400] =	vst v63  }
0x106: {  	s1 =	rddreg [dreg:$0x4]  }
0x107: {  	[hbm4b:s1+s2] =	stream.linear.scatter [tilespmem:s4], [sflag:$0x4], $0x2800, $0x38;
	[tilespmem:$0x5400] =	vst v63  }
0x108: {  	_ =	swait.ge [sflag:s12], $0x2800  }
0x109: {  	[sflag:s12] =	ssyncset.done $0x0  }
0x10a: {  	[sflag:s12] =	ssyncadd.s32 $0xFFFFD800  }
0x10b: {  	_ =	swait.ge [sflag:s5], $0x2800  }
0x10c: {  	[sflag:s5] =	ssyncset.done $0x0  }
0x10d: {  	[sflag:s5] =	ssyncadd.s32 $0xFFFFD800  }
0x10e: {  	[tilespmem:s4], [sflag:$0x2] =	stream.indirect.gather [hbm4b:s3+s8], $0x80, s29, s8, $0xb8;
	[tilespmem:$0x5400] =	vst v63  }
0x10f: {  	s26 =	rddreg [dreg:$0x5]  }
0x110: {  	[hbm4b:s26+s2] =	stream.linear.scatter [tilespmem:s9], [sflag:$0x3], $0x2800, $0x38;
	[tilespmem:$0x5400] =	vst v63  }
0x111: {  	_ =	swait.ge [sflag:s10], $0x2800  }
0x112: {  	[sflag:s10] =	ssyncset.done $0x0  }
0x113: {  	[sflag:s10] =	ssyncadd.s32 $0xFFFFD800  }
0x114: {  	_ =	swait.ge [sflag:s7], $0x2800  }
0x115: {  	[sflag:s7] =	ssyncset.done $0x0  }
0x116: {  	[sflag:s7] =	ssyncadd.s32 $0xFFFFD800  }
0x117: {  	[tilespmem:s9], [sflag:$0x1] =	stream.indirect.gather [hbm4b:s3+s8], $0x80, s28, s8, $0xb8;
	[tilespmem:$0x5400] =	vst v63  }
0x118: {  	_ = 	snop  }
0x119: {  	[hbm4b:s22+s2] =	stream.linear.scatter [tilespmem:s4], [sflag:$0x4], $0x2800, $0x38;
	[tilespmem:$0x5400] =	vst v63  }
0x11a: {  	_ =	swait.ge [sflag:s12], $0x2800  }
0x11b: {  	[sflag:s12] =	ssyncset.done $0x0  }
0x11c: {  	[sflag:s12] =	ssyncadd.s32 $0xFFFFD800  }
0x11d: {  	_ =	swait.ge [sflag:s5], $0x2800  }
0x11e: {  	[sflag:s5] =	ssyncset.done $0x0  }
0x11f: {  	[sflag:s5] =	ssyncadd.s32 $0xFFFFD800  }
0x120: {  	[tilespmem:s4], [sflag:$0x2] =	stream.indirect.gather [hbm4b:s3+s8], $0x80, s25, s8, $0xb8;
	[tilespmem:$0x5400] =	vst v63  }
0x121: {  	_ = 	snop  }
0x122: {  	[hbm4b:s20+s2] =	stream.linear.scatter [tilespmem:s9], [sflag:$0x3], $0x2800, $0x38;
	[tilespmem:$0x5400] =	vst v63  }
0x123: {  	_ =	swait.ge [sflag:s10], $0x2800  }
0x124: {  	[sflag:s10] =	ssyncset.done $0x0  }
0x125: {  	[sflag:s10] =	ssyncadd.s32 $0xFFFFD800  }
0x126: {  	_ =	swait.ge [sflag:s7], $0x2800  }
0x127: {  	[sflag:s7] =	ssyncset.done $0x0  }
0x128: {  	[sflag:s7] =	ssyncadd.s32 $0xFFFFD800  }
0x129: {  	[tilespmem:s9], [sflag:$0x1] =	stream.indirect.gather [hbm4b:s3+s8], $0x80, s24, s8, $0xb8;
	[tilespmem:$0x5400] =	vst v63  }
0x12a: {  	_ = 	snop  }
0x12b: {  	[hbm4b:s18+s2] =	stream.linear.scatter [tilespmem:s4], [sflag:$0x4], $0x2800, $0x38;
	[tilespmem:$0x5400] =	vst v63  }
0x12c: {  	_ =	swait.ge [sflag:s12], $0x2800  }
0x12d: {  	[sflag:s12] =	ssyncset.done $0x0  }
0x12e: {  	[sflag:s12] =	ssyncadd.s32 $0xFFFFD800  }
0x12f: {  	_ =	swait.ge [sflag:s5], $0x2800  }
0x130: {  	[sflag:s5] =	ssyncset.done $0x0  }
0x131: {  	[sflag:s5] =	ssyncadd.s32 $0xFFFFD800  }
0x132: {  	[tilespmem:s4], [sflag:$0x2] =	stream.indirect.gather [hbm4b:s3+s8], $0x80, s23, s8, $0xb8;
	[tilespmem:$0x5400] =	vst v63  }
0x133: {  	_ = 	snop  }
0x134: {  	[hbm4b:s16+s2] =	stream.linear.scatter [tilespmem:s9], [sflag:$0x3], $0x2800, $0x38;
	[tilespmem:$0x5400] =	vst v63  }
0x135: {  	_ =	swait.ge [sflag:s10], $0x2800  }
0x136: {  	[sflag:s10] =	ssyncset.done $0x0  }
0x137: {  	[sflag:s10] =	ssyncadd.s32 $0xFFFFD800  }
0x138: {  	_ =	swait.ge [sflag:s7], $0x2800  }
0x139: {  	[sflag:s7] =	ssyncset.done $0x0  }
0x13a: {  	[sflag:s7] =	ssyncadd.s32 $0xFFFFD800  }
0x13b: {  	[tilespmem:s9], [sflag:$0x1] =	stream.indirect.gather [hbm4b:s3+s8], $0x80, s21, s8, $0xb8;
	[tilespmem:$0x5400] =	vst v63  }
0x13c: {  	_ = 	snop  }
0x13d: {  	[hbm4b:s14+s2] =	stream.linear.scatter [tilespmem:s4], [sflag:$0x4], $0x2800, $0x38;
	[tilespmem:$0x5400] =	vst v63  }
0x13e: {  	_ =	swait.ge [sflag:s12], $0x2800  }
0x13f: {  	[sflag:s12] =	ssyncset.done $0x0  }
0x140: {  	[sflag:s12] =	ssyncadd.s32 $0xFFFFD800  }
0x141: {  	_ =	swait.ge [sflag:s5], $0x2800  }
0x142: {  	[sflag:s5] =	ssyncset.done $0x0  }
0x143: {  	[sflag:s5] =	ssyncadd.s32 $0xFFFFD800  }
0x144: {  	[tilespmem:s4], [sflag:$0x2] =	stream.indirect.gather [hbm4b:s3+s8], $0x80, s19, s8, $0xb8;
	[tilespmem:$0x5400] =	vst v63  }
0x145: {  	_ = 	snop  }
0x146: {  	[hbm4b:s13+s2] =	stream.linear.scatter [tilespmem:s9], [sflag:$0x3], $0x2800, $0x38;
	[tilespmem:$0x5400] =	vst v63  }
0x147: {  	_ =	swait.ge [sflag:s10], $0x2800  }
0x148: {  	[sflag:s10] =	ssyncset.done $0x0  }
0x149: {  	[sflag:s10] =	ssyncadd.s32 $0xFFFFD800  }
0x14a: {  	_ =	swait.ge [sflag:s7], $0x2800  }
0x14b: {  	[sflag:s7] =	ssyncset.done $0x0  }
0x14c: {  	[sflag:s7] =	ssyncadd.s32 $0xFFFFD800  }
0x14d: {  	[tilespmem:s9], [sflag:$0x1] =	stream.indirect.gather [hbm4b:s3+s8], $0x80, s17, s8, $0xb8;
	[tilespmem:$0x5400] =	vst v63  }
0x14e: {  	_ = 	snop  }
0x14f: {  	[hbm4b:s11+s2] =	stream.linear.scatter [tilespmem:s4], [sflag:$0x4], $0x2800, $0x38;
	[tilespmem:$0x5400] =	vst v63  }
0x150: {  	_ =	swait.ge [sflag:s12], $0x2800  }
0x151: {  	[sflag:s12] =	ssyncset.done $0x0  }
0x152: {  	[sflag:s12] =	ssyncadd.s32 $0xFFFFD800  }
0x153: {  	_ =	swait.ge [sflag:s5], $0x2800  }
0x154: {  	[sflag:s5] =	ssyncset.done $0x0  }
0x155: {  	[sflag:s5] =	ssyncadd.s32 $0xFFFFD800  }
0x156: {  	[tilespmem:s4], [sflag:$0x2] =	stream.indirect.gather [hbm4b:s3+s8], $0x80, s15, s8, $0xb8;
	[tilespmem:$0x5400] =	vst v63  }
0x157: {  	_ = 	snop  }
0x158: {  	[hbm4b:s6+s2] =	stream.linear.scatter [tilespmem:s9], [sflag:$0x3], $0x2800, $0x38;
	[tilespmem:$0x5400] =	vst v63  }
0x159: {  	_ =	swait.ge [sflag:s10], $0x2800  }
0x15a: {  	[sflag:s10] =	ssyncset.done $0x0  }
0x15b: {  	[sflag:s10] =	ssyncadd.s32 $0xFFFFD800  }
0x15c: {  	_ =	swait.ge [sflag:s7], $0x2800  }
0x15d: {  	[sflag:s7] =	ssyncset.done $0x0  }
0x15e: {  	s30 =	rddreg [dreg:$0x3];
	[sflag:s7] =	ssyncadd.s32 $0xFFFFD800  }
0x15f: {  	[hbm4b:s30+s2] =	stream.linear.scatter [tilespmem:s4], [sflag:$0x4], $0x2800, $0x38;
	[tilespmem:$0x5400] =	vst v63  }
0x160: {  	_ =	swait.ge [sflag:s5], $0x2800  }
0x161: {  	[sflag:s5] =	ssyncset.done $0x0  }
0x162: {  	[sflag:s5] =	ssyncadd.s32 $0xFFFFD800  }
0x163: {  	_ =	sfence.sel $0x180000  }
0x164: {  	[bflag:$0x0] =	sbarrier.arrive $0xFFFF  }
0x165: {  	_ =	strace $0x9000004A  }
0x166: {  	s31 =	stileid.u32;
	[bflag:$0x2] =	sbarrier.arrive $0xFFFF  }
0x167: {  	p0 =	sne.s32 s31, $0x0;
	s0 =	rddreg [dreg:$0x1]  }
0x168: {  	s0 =	sadd.s32 @!p0 $0x100000, s0  }
0x169: {  	[sflag:s0] =	ssyncadd.tile.s32 @!p0 $0x1;
	_ =	shalt  }
.Lfunc_end2:
_tile_overlayer_lowered:
.L_overlay_start_2:
0x16a: {  	(tag) =	ssettag $0x2  }
0x16b: {  	s0 =	rddreg [dreg:$0x0];
	s2 =	stileid.u32  }
0x16c: {  	s1 =	rddreg [dreg:$0x1];
	p0 =	sne.s32 s2, $0x0  }
0x16d: {  	s3 =	rddreg [dreg:$0x2];
	[bflag:$0x3] =	sbarrier.arrive $0xFFFF;
	s2 =	simm.s32 @!p0 $0x1C05  }
0x16e: {  	[timem:s3], [sflag:s2] =	dma.local @!p0 [hbm:s0], s1  }
0x16f: {  	s0 =	simm.s32 @!p0 $0x5  }
0x170: {  	_ =	swait.ge @!p0 [sflag:s0], s1  }
0x171: {  	s1 =	ssub.s32 @!p0 $0x0, s1;
	[sflag:s0] =	ssyncset.done @!p0 $0x0  }
0x172: {  	[sflag:s0] =	ssyncadd.s32 @!p0 s1  }
0x173: {  	[bflag:$0x3] =	sbarrier.arrive $0xFFFF  }
0x174: {  	_ =	shalt  }

</sc_bundles>
